<compile_context>
chip_gen: v7x
topology: tpu7x:2x2x1
jax: 0.10.2.dev20260603
libtpu: 0.0.44.dev20260713+nightly
codegen_flags: <defaults>
</compile_context>

<pallas_src>
import functools

import jax
import jax.numpy as jnp
from jax import lax
from jax.experimental import pallas as pl
from jax.experimental.pallas import tpu as pltpu
from jax.experimental.pallas import tpu_sc as plsc

_B = 16384
_S = 200
_D = 64
_ROWS = _S * _D
_EROWS = _ROWS // 128
_NC = 2
_NS = 16
_NW = _NC * _NS
_RPT = _ROWS // _NW
_CB = 256
_NDMA = _B // _CB


def _seed_body(e_ref, o_ref):
    o_ref[...] = jnp.broadcast_to(
        e_ref[...][:, :, None], (_EROWS, 128, _CB)
    )


_seed_call = pl.pallas_call(
    _seed_body,
    out_shape=jax.ShapeDtypeStruct((_EROWS, 128, _CB), jnp.float32),
)


def _make_sc_fanout():
    mesh = plsc.VectorSubcoreMesh(core_axis_name="c", subcore_axis_name="s")

    @functools.partial(
        pl.kernel,
        mesh=mesh,
        out_type=jax.ShapeDtypeStruct((_ROWS, _B), jnp.float32),
        scratch_types=[
            pltpu.VMEM((_RPT, _CB), jnp.float32),
            pltpu.SemaphoreType.DMA,
        ],
    )
    def body(seed_hbm, out_hbm, buf, sem):
        wid = lax.axis_index("s") * _NC + lax.axis_index("c")
        row0 = wid * _RPT
        pltpu.sync_copy(seed_hbm.at[pl.ds(row0, _RPT)], buf)
        copies = [
            pltpu.async_copy(
                buf,
                out_hbm.at[pl.ds(row0, _RPT), pl.ds(j * _CB, _CB)],
                sem,
            )
            for j in range(_NDMA)
        ]
        for c in copies:
            c.wait()

    return body


_sc_fanout = _make_sc_fanout()


def kernel(x, pos_embed):
    del x
    emb = pos_embed.reshape(-1)[: _ROWS].reshape(_EROWS, 128)
    seed = _seed_call(emb).reshape(_ROWS, _CB)
    flat = _sc_fanout(seed)
    return flat.reshape(_S, _D, _B).transpose(2, 0, 1)

# --- scband reference (transcript-rebuilt; emitter-appended) ---
"""Pipeline reference for scband-positional-encoding-54485955117518 (READ-ONLY COPY).

The authoritative reference and input builder live on the scoring server;
editing this copy changes nothing except your own understanding.
"""

import jax, jax.numpy as jnp
import numpy as np

MAX_LEN = 2048
EMBED_DIM = 64
BATCH = 16384
SEQ_LEN = 200


def setup_inputs(seed: int = 0) -> dict:
    key = jax.random.key(seed)
    k1, k2 = jax.random.split(key)
    x = jax.random.randint(k1, (BATCH, SEQ_LEN), 0, MAX_LEN, dtype=jnp.int64 if jax.config.jax_enable_x64 else jnp.int32)
    pos_embed = jax.random.normal(k2, (MAX_LEN, EMBED_DIM), dtype=jnp.float32) * 0.02
    return {"x": x, "pos_embed": pos_embed}


def reference(x, pos_embed):
    batch_size, seq_len = x.shape
    positions = jnp.broadcast_to(jnp.arange(seq_len), (batch_size, seq_len))
    return jnp.take(pos_embed, positions, axis=0)

if __name__ == "__main__":
    import jax
    _d = setup_inputs()
    print(jax.jit(kernel)(*tuple(_d.values())))

</pallas_src>

<mosaic_0001>
#map = affine_map<(d0, d1) -> (0, 0)>
module attributes {stable_mosaic.version = 14 : i64} {
  func.func @body(%arg0: i32, %arg1: i32, %arg2: memref<12800x256xf32, #tpu.memory_space<hbm>>, %arg3: memref<12800x16384xf32, #tpu.memory_space<hbm>>, %arg4: memref<400x256xf32, #tpu.memory_space<vmem>>, %arg5: memref<!tpu.dma_semaphore, #tpu.memory_space<semaphore_mem>>) attributes {dimension_semantics = [#tpu.dimension_semantics<core_parallel>, #tpu.dimension_semantics<subcore_parallel>], iteration_bounds = array<i64: 2, 16>, scalar_prefetch = 0 : i64, scratch_operands = 2 : i64, tpu.core_type = #tpu.core_type<sc_vector_subcore>, window_params = [{transform_indices = #map}, {transform_indices = #map}]} {
    %mul3A = arith.constant 2 : i32
    %mul3A_0 = arith.muli %arg1, %mul3A : i32
    %add3A = arith.addi %mul3A_0, %arg0 : i32
    %mul3A_1 = arith.constant 400 : i32
    %mul3A_2 = arith.muli %add3A, %mul3A_1 : i32
    "tpu.region"() ({
      %run_scoped3A = tpu.sem_alloc : memref<!tpu.dma_semaphore, #tpu.memory_space<semaphore_mem>>
      %dma_start3A_513 = arith.constant 0 : i32
      %dma_start3A_514 = tpu.memref_slice %arg2[%mul3A_2, %dma_start3A_513] : memref<12800x256xf32, #tpu.memory_space<hbm>> -> memref<400x256xf32, #tpu.memory_space<hbm>>
      %dma_start3A_515 = arith.constant 0 : i32
      %dma_start3A_516 = tpu.memref_slice %arg2[%mul3A_2, %dma_start3A_515] : memref<12800x256xf32, #tpu.memory_space<hbm>> -> memref<400x256xf32, #tpu.memory_space<hbm>>
      tpu.enqueue_dma source(%dma_start3A_516 : memref<400x256xf32, #tpu.memory_space<hbm>>) target(%arg4 : memref<400x256xf32, #tpu.memory_space<vmem>>) target_semaphore(%run_scoped3A : memref<!tpu.dma_semaphore, #tpu.memory_space<semaphore_mem>>)
      %dma_wait3A_517 = arith.constant 0 : i32
      %dma_wait3A_518 = tpu.memref_slice %arg2[%mul3A_2, %dma_wait3A_517] : memref<12800x256xf32, #tpu.memory_space<hbm>> -> memref<400x256xf32, #tpu.memory_space<hbm>>
      %dma_wait3A_519 = arith.constant 0 : i32
      %dma_wait3A_520 = tpu.memref_slice %arg2[%mul3A_2, %dma_wait3A_519] : memref<12800x256xf32, #tpu.memory_space<hbm>> -> memref<400x256xf32, #tpu.memory_space<hbm>>
      tpu.wait_dma2 semaphore(%run_scoped3A : memref<!tpu.dma_semaphore, #tpu.memory_space<semaphore_mem>>) src(%dma_wait3A_520 : memref<400x256xf32, #tpu.memory_space<hbm>>) dst(%arg4 : memref<400x256xf32, #tpu.memory_space<vmem>>)
      tpu.yield
    }) : () -> ()
    %dma_start3A = arith.constant 0 : i32
    %dma_start3A_3 = tpu.memref_slice %arg3[%mul3A_2, %dma_start3A] : memref<12800x16384xf32, #tpu.memory_space<hbm>> -> memref<400x256xf32, #tpu.memory_space<hbm>>
    %dma_start3A_4 = arith.constant 0 : i32
    %dma_start3A_5 = tpu.memref_slice %arg3[%mul3A_2, %dma_start3A_4] : memref<12800x16384xf32, #tpu.memory_space<hbm>> -> memref<400x256xf32, #tpu.memory_space<hbm>>
    tpu.enqueue_dma source(%arg4 : memref<400x256xf32, #tpu.memory_space<vmem>>) target(%dma_start3A_5 : memref<400x256xf32, #tpu.memory_space<hbm>>) target_semaphore(%arg5 : memref<!tpu.dma_semaphore, #tpu.memory_space<semaphore_mem>>)
    %dma_start3A_6 = arith.constant 256 : i32
    %dma_start3A_7 = tpu.memref_slice %arg3[%mul3A_2, %dma_start3A_6] : memref<12800x16384xf32, #tpu.memory_space<hbm>> -> memref<400x256xf32, #tpu.memory_space<hbm>>
    %dma_start3A_8 = arith.constant 256 : i32
    %dma_start3A_9 = tpu.memref_slice %arg3[%mul3A_2, %dma_start3A_8] : memref<12800x16384xf32, #tpu.memory_space<hbm>> -> memref<400x256xf32, #tpu.memory_space<hbm>>
    tpu.enqueue_dma source(%arg4 : memref<400x256xf32, #tpu.memory_space<vmem>>) target(%dma_start3A_9 : memref<400x256xf32, #tpu.memory_space<hbm>>) target_semaphore(%arg5 : memref<!tpu.dma_semaphore, #tpu.memory_space<semaphore_mem>>)
    %dma_start3A_10 = arith.constant 512 : i32
    %dma_start3A_11 = tpu.memref_slice %arg3[%mul3A_2, %dma_start3A_10] : memref<12800x16384xf32, #tpu.memory_space<hbm>> -> memref<400x256xf32, #tpu.memory_space<hbm>>
    %dma_start3A_12 = arith.constant 512 : i32
    %dma_start3A_13 = tpu.memref_slice %arg3[%mul3A_2, %dma_start3A_12] : memref<12800x16384xf32, #tpu.memory_space<hbm>> -> memref<400x256xf32, #tpu.memory_space<hbm>>
    tpu.enqueue_dma source(%arg4 : memref<400x256xf32, #tpu.memory_space<vmem>>) target(%dma_start3A_13 : memref<400x256xf32, #tpu.memory_space<hbm>>) target_semaphore(%arg5 : memref<!tpu.dma_semaphore, #tpu.memory_space<semaphore_mem>>)
    %dma_start3A_14 = arith.constant 768 : i32
    %dma_start3A_15 = tpu.memref_slice %arg3[%mul3A_2, %dma_start3A_14] : memref<12800x16384xf32, #tpu.memory_space<hbm>> -> memref<400x256xf32, #tpu.memory_space<hbm>>
    %dma_start3A_16 = arith.constant 768 : i32
    %dma_start3A_17 = tpu.memref_slice %arg3[%mul3A_2, %dma_start3A_16] : memref<12800x16384xf32, #tpu.memory_space<hbm>> -> memref<400x256xf32, #tpu.memory_space<hbm>>
    tpu.enqueue_dma source(%arg4 : memref<400x256xf32, #tpu.memory_space<vmem>>) target(%dma_start3A_17 : memref<400x256xf32, #tpu.memory_space<hbm>>) target_semaphore(%arg5 : memref<!tpu.dma_semaphore, #tpu.memory_space<semaphore_mem>>)
    %dma_start3A_18 = arith.constant 1024 : i32
    %dma_start3A_19 = tpu.memref_slice %arg3[%mul3A_2, %dma_start3A_18] : memref<12800x16384xf32, #tpu.memory_space<hbm>> -> memref<400x256xf32, #tpu.memory_space<hbm>>
    %dma_start3A_20 = arith.constant 1024 : i32
    %dma_start3A_21 = tpu.memref_slice %arg3[%mul3A_2, %dma_start3A_20] : memref<12800x16384xf32, #tpu.memory_space<hbm>> -> memref<400x256xf32, #tpu.memory_space<hbm>>
    tpu.enqueue_dma source(%arg4 : memref<400x256xf32, #tpu.memory_space<vmem>>) target(%dma_start3A_21 : memref<400x256xf32, #tpu.memory_space<hbm>>) target_semaphore(%arg5 : memref<!tpu.dma_semaphore, #tpu.memory_space<semaphore_mem>>)
    %dma_start3A_22 = arith.constant 1280 : i32
    %dma_start3A_23 = tpu.memref_slice %arg3[%mul3A_2, %dma_start3A_22] : memref<12800x16384xf32, #tpu.memory_space<hbm>> -> memref<400x256xf32, #tpu.memory_space<hbm>>
    %dma_start3A_24 = arith.constant 1280 : i32
    %dma_start3A_25 = tpu.memref_slice %arg3[%mul3A_2, %dma_start3A_24] : memref<12800x16384xf32, #tpu.memory_space<hbm>> -> memref<400x256xf32, #tpu.memory_space<hbm>>
    tpu.enqueue_dma source(%arg4 : memref<400x256xf32, #tpu.memory_space<vmem>>) target(%dma_start3A_25 : memref<400x256xf32, #tpu.memory_space<hbm>>) target_semaphore(%arg5 : memref<!tpu.dma_semaphore, #tpu.memory_space<semaphore_mem>>)
    %dma_start3A_26 = arith.constant 1536 : i32
    %dma_start3A_27 = tpu.memref_slice %arg3[%mul3A_2, %dma_start3A_26] : memref<12800x16384xf32, #tpu.memory_space<hbm>> -> memref<400x256xf32, #tpu.memory_space<hbm>>
    %dma_start3A_28 = arith.constant 1536 : i32
    %dma_start3A_29 = tpu.memref_slice %arg3[%mul3A_2, %dma_start3A_28] : memref<12800x16384xf32, #tpu.memory_space<hbm>> -> memref<400x256xf32, #tpu.memory_space<hbm>>
    tpu.enqueue_dma source(%arg4 : memref<400x256xf32, #tpu.memory_space<vmem>>) target(%dma_start3A_29 : memref<400x256xf32, #tpu.memory_space<hbm>>) target_semaphore(%arg5 : memref<!tpu.dma_semaphore, #tpu.memory_space<semaphore_mem>>)
    %dma_start3A_30 = arith.constant 1792 : i32
    %dma_start3A_31 = tpu.memref_slice %arg3[%mul3A_2, %dma_start3A_30] : memref<12800x16384xf32, #tpu.memory_space<hbm>> -> memref<400x256xf32, #tpu.memory_space<hbm>>
    %dma_start3A_32 = arith.constant 1792 : i32
    %dma_start3A_33 = tpu.memref_slice %arg3[%mul3A_2, %dma_start3A_32] : memref<12800x16384xf32, #tpu.memory_space<hbm>> -> memref<400x256xf32, #tpu.memory_space<hbm>>
    tpu.enqueue_dma source(%arg4 : memref<400x256xf32, #tpu.memory_space<vmem>>) target(%dma_start3A_33 : memref<400x256xf32, #tpu.memory_space<hbm>>) target_semaphore(%arg5 : memref<!tpu.dma_semaphore, #tpu.memory_space<semaphore_mem>>)
    %dma_start3A_34 = arith.constant 2048 : i32
    %dma_start3A_35 = tpu.memref_slice %arg3[%mul3A_2, %dma_start3A_34] : memref<12800x16384xf32, #tpu.memory_space<hbm>> -> memref<400x256xf32, #tpu.memory_space<hbm>>
    %dma_start3A_36 = arith.constant 2048 : i32
    %dma_start3A_37 = tpu.memref_slice %arg3[%mul3A_2, %dma_start3A_36] : memref<12800x16384xf32, #tpu.memory_space<hbm>> -> memref<400x256xf32, #tpu.memory_space<hbm>>
    tpu.enqueue_dma source(%arg4 : memref<400x256xf32, #tpu.memory_space<vmem>>) target(%dma_start3A_37 : memref<400x256xf32, #tpu.memory_space<hbm>>) target_semaphore(%arg5 : memref<!tpu.dma_semaphore, #tpu.memory_space<semaphore_mem>>)
    %dma_start3A_38 = arith.constant 2304 : i32
    %dma_start3A_39 = tpu.memref_slice %arg3[%mul3A_2, %dma_start3A_38] : memref<12800x16384xf32, #tpu.memory_space<hbm>> -> memref<400x256xf32, #tpu.memory_space<hbm>>
    %dma_start3A_40 = arith.constant 2304 : i32
    %dma_start3A_41 = tpu.memref_slice %arg3[%mul3A_2, %dma_start3A_40] : memref<12800x16384xf32, #tpu.memory_space<hbm>> -> memref<400x256xf32, #tpu.memory_space<hbm>>
    tpu.enqueue_dma source(%arg4 : memref<400x256xf32, #tpu.memory_space<vmem>>) target(%dma_start3A_41 : memref<400x256xf32, #tpu.memory_space<hbm>>) target_semaphore(%arg5 : memref<!tpu.dma_semaphore, #tpu.memory_space<semaphore_mem>>)
    %dma_start3A_42 = arith.constant 2560 : i32
    %dma_start3A_43 = tpu.memref_slice %arg3[%mul3A_2, %dma_start3A_42] : memref<12800x16384xf32, #tpu.memory_space<hbm>> -> memref<400x256xf32, #tpu.memory_space<hbm>>
    %dma_start3A_44 = arith.constant 2560 : i32
    %dma_start3A_45 = tpu.memref_slice %arg3[%mul3A_2, %dma_start3A_44] : memref<12800x16384xf32, #tpu.memory_space<hbm>> -> memref<400x256xf32, #tpu.memory_space<hbm>>
    tpu.enqueue_dma source(%arg4 : memref<400x256xf32, #tpu.memory_space<vmem>>) target(%dma_start3A_45 : memref<400x256xf32, #tpu.memory_space<hbm>>) target_semaphore(%arg5 : memref<!tpu.dma_semaphore, #tpu.memory_space<semaphore_mem>>)
    %dma_start3A_46 = arith.constant 2816 : i32
    %dma_start3A_47 = tpu.memref_slice %arg3[%mul3A_2, %dma_start3A_46] : memref<12800x16384xf32, #tpu.memory_space<hbm>> -> memref<400x256xf32, #tpu.memory_space<hbm>>
    %dma_start3A_48 = arith.constant 2816 : i32
    %dma_start3A_49 = tpu.memref_slice %arg3[%mul3A_2, %dma_start3A_48] : memref<12800x16384xf32, #tpu.memory_space<hbm>> -> memref<400x256xf32, #tpu.memory_space<hbm>>
    tpu.enqueue_dma source(%arg4 : memref<400x256xf32, #tpu.memory_space<vmem>>) target(%dma_start3A_49 : memref<400x256xf32, #tpu.memory_space<hbm>>) target_semaphore(%arg5 : memref<!tpu.dma_semaphore, #tpu.memory_space<semaphore_mem>>)
    %dma_start3A_50 = arith.constant 3072 : i32
    %dma_start3A_51 = tpu.memref_slice %arg3[%mul3A_2, %dma_start3A_50] : memref<12800x16384xf32, #tpu.memory_space<hbm>> -> memref<400x256xf32, #tpu.memory_space<hbm>>
    %dma_start3A_52 = arith.constant 3072 : i32
    %dma_start3A_53 = tpu.memref_slice %arg3[%mul3A_2, %dma_start3A_52] : memref<12800x16384xf32, #tpu.memory_space<hbm>> -> memref<400x256xf32, #tpu.memory_space<hbm>>
    tpu.enqueue_dma source(%arg4 : memref<400x256xf32, #tpu.memory_space<vmem>>) target(%dma_start3A_53 : memref<400x256xf32, #tpu.memory_space<hbm>>) target_semaphore(%arg5 : memref<!tpu.dma_semaphore, #tpu.memory_space<semaphore_mem>>)
    %dma_start3A_54 = arith.constant 3328 : i32
    %dma_start3A_55 = tpu.memref_slice %arg3[%mul3A_2, %dma_start3A_54] : memref<12800x16384xf32, #tpu.memory_space<hbm>> -> memref<400x256xf32, #tpu.memory_space<hbm>>
    %dma_start3A_56 = arith.constant 3328 : i32
    %dma_start3A_57 = tpu.memref_slice %arg3[%mul3A_2, %dma_start3A_56] : memref<12800x16384xf32, #tpu.memory_space<hbm>> -> memref<400x256xf32, #tpu.memory_space<hbm>>
    tpu.enqueue_dma source(%arg4 : memref<400x256xf32, #tpu.memory_space<vmem>>) target(%dma_start3A_57 : memref<400x256xf32, #tpu.memory_space<hbm>>) target_semaphore(%arg5 : memref<!tpu.dma_semaphore, #tpu.memory_space<semaphore_mem>>)
    %dma_start3A_58 = arith.constant 3584 : i32
    %dma_start3A_59 = tpu.memref_slice %arg3[%mul3A_2, %dma_start3A_58] : memref<12800x16384xf32, #tpu.memory_space<hbm>> -> memref<400x256xf32, #tpu.memory_space<hbm>>
    %dma_start3A_60 = arith.constant 3584 : i32
    %dma_start3A_61 = tpu.memref_slice %arg3[%mul3A_2, %dma_start3A_60] : memref<12800x16384xf32, #tpu.memory_space<hbm>> -> memref<400x256xf32, #tpu.memory_space<hbm>>
    tpu.enqueue_dma source(%arg4 : memref<400x256xf32, #tpu.memory_space<vmem>>) target(%dma_start3A_61 : memref<400x256xf32, #tpu.memory_space<hbm>>) target_semaphore(%arg5 : memref<!tpu.dma_semaphore, #tpu.memory_space<semaphore_mem>>)
    %dma_start3A_62 = arith.constant 3840 : i32
    %dma_start3A_63 = tpu.memref_slice %arg3[%mul3A_2, %dma_start3A_62] : memref<12800x16384xf32, #tpu.memory_space<hbm>> -> memref<400x256xf32, #tpu.memory_space<hbm>>
    %dma_start3A_64 = arith.constant 3840 : i32
    %dma_start3A_65 = tpu.memref_slice %arg3[%mul3A_2, %dma_start3A_64] : memref<12800x16384xf32, #tpu.memory_space<hbm>> -> memref<400x256xf32, #tpu.memory_space<hbm>>
    tpu.enqueue_dma source(%arg4 : memref<400x256xf32, #tpu.memory_space<vmem>>) target(%dma_start3A_65 : memref<400x256xf32, #tpu.memory_space<hbm>>) target_semaphore(%arg5 : memref<!tpu.dma_semaphore, #tpu.memory_space<semaphore_mem>>)
    %dma_start3A_66 = arith.constant 4096 : i32
    %dma_start3A_67 = tpu.memref_slice %arg3[%mul3A_2, %dma_start3A_66] : memref<12800x16384xf32, #tpu.memory_space<hbm>> -> memref<400x256xf32, #tpu.memory_space<hbm>>
    %dma_start3A_68 = arith.constant 4096 : i32
    %dma_start3A_69 = tpu.memref_slice %arg3[%mul3A_2, %dma_start3A_68] : memref<12800x16384xf32, #tpu.memory_space<hbm>> -> memref<400x256xf32, #tpu.memory_space<hbm>>
    tpu.enqueue_dma source(%arg4 : memref<400x256xf32, #tpu.memory_space<vmem>>) target(%dma_start3A_69 : memref<400x256xf32, #tpu.memory_space<hbm>>) target_semaphore(%arg5 : memref<!tpu.dma_semaphore, #tpu.memory_space<semaphore_mem>>)
    %dma_start3A_70 = arith.constant 4352 : i32
    %dma_start3A_71 = tpu.memref_slice %arg3[%mul3A_2, %dma_start3A_70] : memref<12800x16384xf32, #tpu.memory_space<hbm>> -> memref<400x256xf32, #tpu.memory_space<hbm>>
    %dma_start3A_72 = arith.constant 4352 : i32
    %dma_start3A_73 = tpu.memref_slice %arg3[%mul3A_2, %dma_start3A_72] : memref<12800x16384xf32, #tpu.memory_space<hbm>> -> memref<400x256xf32, #tpu.memory_space<hbm>>
    tpu.enqueue_dma source(%arg4 : memref<400x256xf32, #tpu.memory_space<vmem>>) target(%dma_start3A_73 : memref<400x256xf32, #tpu.memory_space<hbm>>) target_semaphore(%arg5 : memref<!tpu.dma_semaphore, #tpu.memory_space<semaphore_mem>>)
    %dma_start3A_74 = arith.constant 4608 : i32
    %dma_start3A_75 = tpu.memref_slice %arg3[%mul3A_2, %dma_start3A_74] : memref<12800x16384xf32, #tpu.memory_space<hbm>> -> memref<400x256xf32, #tpu.memory_space<hbm>>
    %dma_start3A_76 = arith.constant 4608 : i32
    %dma_start3A_77 = tpu.memref_slice %arg3[%mul3A_2, %dma_start3A_76] : memref<12800x16384xf32, #tpu.memory_space<hbm>> -> memref<400x256xf32, #tpu.memory_space<hbm>>
    tpu.enqueue_dma source(%arg4 : memref<400x256xf32, #tpu.memory_space<vmem>>) target(%dma_start3A_77 : memref<400x256xf32, #tpu.memory_space<hbm>>) target_semaphore(%arg5 : memref<!tpu.dma_semaphore, #tpu.memory_space<semaphore_mem>>)
    %dma_start3A_78 = arith.constant 4864 : i32
    %dma_start3A_79 = tpu.memref_slice %arg3[%mul3A_2, %dma_start3A_78] : memref<12800x16384xf32, #tpu.memory_space<hbm>> -> memref<400x256xf32, #tpu.memory_space<hbm>>
    %dma_start3A_80 = arith.constant 4864 : i32
    %dma_start3A_81 = tpu.memref_slice %arg3[%mul3A_2, %dma_start3A_80] : memref<12800x16384xf32, #tpu.memory_space<hbm>> -> memref<400x256xf32, #tpu.memory_space<hbm>>
    tpu.enqueue_dma source(%arg4 : memref<400x256xf32, #tpu.memory_space<vmem>>) target(%dma_start3A_81 : memref<400x256xf32, #tpu.memory_space<hbm>>) target_semaphore(%arg5 : memref<!tpu.dma_semaphore, #tpu.memory_space<semaphore_mem>>)
    %dma_start3A_82 = arith.constant 5120 : i32
    %dma_start3A_83 = tpu.memref_slice %arg3[%mul3A_2, %dma_start3A_82] : memref<12800x16384xf32, #tpu.memory_space<hbm>> -> memref<400x256xf32, #tpu.memory_space<hbm>>
    %dma_start3A_84 = arith.constant 5120 : i32
    %dma_start3A_85 = tpu.memref_slice %arg3[%mul3A_2, %dma_start3A_84] : memref<12800x16384xf32, #tpu.memory_space<hbm>> -> memref<400x256xf32, #tpu.memory_space<hbm>>
    tpu.enqueue_dma source(%arg4 : memref<400x256xf32, #tpu.memory_space<vmem>>) target(%dma_start3A_85 : memref<400x256xf32, #tpu.memory_space<hbm>>) target_semaphore(%arg5 : memref<!tpu.dma_semaphore, #tpu.memory_space<semaphore_mem>>)
    %dma_start3A_86 = arith.constant 5376 : i32
    %dma_start3A_87 = tpu.memref_slice %arg3[%mul3A_2, %dma_start3A_86] : memref<12800x16384xf32, #tpu.memory_space<hbm>> -> memref<400x256xf32, #tpu.memory_space<hbm>>
    %dma_start3A_88 = arith.constant 5376 : i32
    %dma_start3A_89 = tpu.memref_slice %arg3[%mul3A_2, %dma_start3A_88] : memref<12800x16384xf32, #tpu.memory_space<hbm>> -> memref<400x256xf32, #tpu.memory_space<hbm>>
    tpu.enqueue_dma source(%arg4 : memref<400x256xf32, #tpu.memory_space<vmem>>) target(%dma_start3A_89 : memref<400x256xf32, #tpu.memory_space<hbm>>) target_semaphore(%arg5 : memref<!tpu.dma_semaphore, #tpu.memory_space<semaphore_mem>>)
    %dma_start3A_90 = arith.constant 5632 : i32
    %dma_start3A_91 = tpu.memref_slice %arg3[%mul3A_2, %dma_start3A_90] : memref<12800x16384xf32, #tpu.memory_space<hbm>> -> memref<400x256xf32, #tpu.memory_space<hbm>>
    %dma_start3A_92 = arith.constant 5632 : i32
    %dma_start3A_93 = tpu.memref_slice %arg3[%mul3A_2, %dma_start3A_92] : memref<12800x16384xf32, #tpu.memory_space<hbm>> -> memref<400x256xf32, #tpu.memory_space<hbm>>
    tpu.enqueue_dma source(%arg4 : memref<400x256xf32, #tpu.memory_space<vmem>>) target(%dma_start3A_93 : memref<400x256xf32, #tpu.memory_space<hbm>>) target_semaphore(%arg5 : memref<!tpu.dma_semaphore, #tpu.memory_space<semaphore_mem>>)
    %dma_start3A_94 = arith.constant 5888 : i32
    %dma_start3A_95 = tpu.memref_slice %arg3[%mul3A_2, %dma_start3A_94] : memref<12800x16384xf32, #tpu.memory_space<hbm>> -> memref<400x256xf32, #tpu.memory_space<hbm>>
    %dma_start3A_96 = arith.constant 5888 : i32
    %dma_start3A_97 = tpu.memref_slice %arg3[%mul3A_2, %dma_start3A_96] : memref<12800x16384xf32, #tpu.memory_space<hbm>> -> memref<400x256xf32, #tpu.memory_space<hbm>>
    tpu.enqueue_dma source(%arg4 : memref<400x256xf32, #tpu.memory_space<vmem>>) target(%dma_start3A_97 : memref<400x256xf32, #tpu.memory_space<hbm>>) target_semaphore(%arg5 : memref<!tpu.dma_semaphore, #tpu.memory_space<semaphore_mem>>)
    %dma_start3A_98 = arith.constant 6144 : i32
    %dma_start3A_99 = tpu.memref_slice %arg3[%mul3A_2, %dma_start3A_98] : memref<12800x16384xf32, #tpu.memory_space<hbm>> -> memref<400x256xf32, #tpu.memory_space<hbm>>
    %dma_start3A_100 = arith.constant 6144 : i32
    %dma_start3A_101 = tpu.memref_slice %arg3[%mul3A_2, %dma_start3A_100] : memref<12800x16384xf32, #tpu.memory_space<hbm>> -> memref<400x256xf32, #tpu.memory_space<hbm>>
    tpu.enqueue_dma source(%arg4 : memref<400x256xf32, #tpu.memory_space<vmem>>) target(%dma_start3A_101 : memref<400x256xf32, #tpu.memory_space<hbm>>) target_semaphore(%arg5 : memref<!tpu.dma_semaphore, #tpu.memory_space<semaphore_mem>>)
    %dma_start3A_102 = arith.constant 6400 : i32
    %dma_start3A_103 = tpu.memref_slice %arg3[%mul3A_2, %dma_start3A_102] : memref<12800x16384xf32, #tpu.memory_space<hbm>> -> memref<400x256xf32, #tpu.memory_space<hbm>>
    %dma_start3A_104 = arith.constant 6400 : i32
    %dma_start3A_105 = tpu.memref_slice %arg3[%mul3A_2, %dma_start3A_104] : memref<12800x16384xf32, #tpu.memory_space<hbm>> -> memref<400x256xf32, #tpu.memory_space<hbm>>
    tpu.enqueue_dma source(%arg4 : memref<400x256xf32, #tpu.memory_space<vmem>>) target(%dma_start3A_105 : memref<400x256xf32, #tpu.memory_space<hbm>>) target_semaphore(%arg5 : memref<!tpu.dma_semaphore, #tpu.memory_space<semaphore_mem>>)
    %dma_start3A_106 = arith.constant 6656 : i32
    %dma_start3A_107 = tpu.memref_slice %arg3[%mul3A_2, %dma_start3A_106] : memref<12800x16384xf32, #tpu.memory_space<hbm>> -> memref<400x256xf32, #tpu.memory_space<hbm>>
    %dma_start3A_108 = arith.constant 6656 : i32
    %dma_start3A_109 = tpu.memref_slice %arg3[%mul3A_2, %dma_start3A_108] : memref<12800x16384xf32, #tpu.memory_space<hbm>> -> memref<400x256xf32, #tpu.memory_space<hbm>>
    tpu.enqueue_dma source(%arg4 : memref<400x256xf32, #tpu.memory_space<vmem>>) target(%dma_start3A_109 : memref<400x256xf32, #tpu.memory_space<hbm>>) target_semaphore(%arg5 : memref<!tpu.dma_semaphore, #tpu.memory_space<semaphore_mem>>)
    %dma_start3A_110 = arith.constant 6912 : i32
    %dma_start3A_111 = tpu.memref_slice %arg3[%mul3A_2, %dma_start3A_110] : memref<12800x16384xf32, #tpu.memory_space<hbm>> -> memref<400x256xf32, #tpu.memory_space<hbm>>
    %dma_start3A_112 = arith.constant 6912 : i32
    %dma_start3A_113 = tpu.memref_slice %arg3[%mul3A_2, %dma_start3A_112] : memref<12800x16384xf32, #tpu.memory_space<hbm>> -> memref<400x256xf32, #tpu.memory_space<hbm>>
    tpu.enqueue_dma source(%arg4 : memref<400x256xf32, #tpu.memory_space<vmem>>) target(%dma_start3A_113 : memref<400x256xf32, #tpu.memory_space<hbm>>) target_semaphore(%arg5 : memref<!tpu.dma_semaphore, #tpu.memory_space<semaphore_mem>>)
    %dma_start3A_114 = arith.constant 7168 : i32
    %dma_start3A_115 = tpu.memref_slice %arg3[%mul3A_2, %dma_start3A_114] : memref<12800x16384xf32, #tpu.memory_space<hbm>> -> memref<400x256xf32, #tpu.memory_space<hbm>>
    %dma_start3A_116 = arith.constant 7168 : i32
    %dma_start3A_117 = tpu.memref_slice %arg3[%mul3A_2, %dma_start3A_116] : memref<12800x16384xf32, #tpu.memory_space<hbm>> -> memref<400x256xf32, #tpu.memory_space<hbm>>
    tpu.enqueue_dma source(%arg4 : memref<400x256xf32, #tpu.memory_space<vmem>>) target(%dma_start3A_117 : memref<400x256xf32, #tpu.memory_space<hbm>>) target_semaphore(%arg5 : memref<!tpu.dma_semaphore, #tpu.memory_space<semaphore_mem>>)
    %dma_start3A_118 = arith.constant 7424 : i32
    %dma_start3A_119 = tpu.memref_slice %arg3[%mul3A_2, %dma_start3A_118] : memref<12800x16384xf32, #tpu.memory_space<hbm>> -> memref<400x256xf32, #tpu.memory_space<hbm>>
    %dma_start3A_120 = arith.constant 7424 : i32
    %dma_start3A_121 = tpu.memref_slice %arg3[%mul3A_2, %dma_start3A_120] : memref<12800x16384xf32, #tpu.memory_space<hbm>> -> memref<400x256xf32, #tpu.memory_space<hbm>>
    tpu.enqueue_dma source(%arg4 : memref<400x256xf32, #tpu.memory_space<vmem>>) target(%dma_start3A_121 : memref<400x256xf32, #tpu.memory_space<hbm>>) target_semaphore(%arg5 : memref<!tpu.dma_semaphore, #tpu.memory_space<semaphore_mem>>)
    %dma_start3A_122 = arith.constant 7680 : i32
    %dma_start3A_123 = tpu.memref_slice %arg3[%mul3A_2, %dma_start3A_122] : memref<12800x16384xf32, #tpu.memory_space<hbm>> -> memref<400x256xf32, #tpu.memory_space<hbm>>
    %dma_start3A_124 = arith.constant 7680 : i32
    %dma_start3A_125 = tpu.memref_slice %arg3[%mul3A_2, %dma_start3A_124] : memref<12800x16384xf32, #tpu.memory_space<hbm>> -> memref<400x256xf32, #tpu.memory_space<hbm>>
    tpu.enqueue_dma source(%arg4 : memref<400x256xf32, #tpu.memory_space<vmem>>) target(%dma_start3A_125 : memref<400x256xf32, #tpu.memory_space<hbm>>) target_semaphore(%arg5 : memref<!tpu.dma_semaphore, #tpu.memory_space<semaphore_mem>>)
    %dma_start3A_126 = arith.constant 7936 : i32
    %dma_start3A_127 = tpu.memref_slice %arg3[%mul3A_2, %dma_start3A_126] : memref<12800x16384xf32, #tpu.memory_space<hbm>> -> memref<400x256xf32, #tpu.memory_space<hbm>>
    %dma_start3A_128 = arith.constant 7936 : i32
    %dma_start3A_129 = tpu.memref_slice %arg3[%mul3A_2, %dma_start3A_128] : memref<12800x16384xf32, #tpu.memory_space<hbm>> -> memref<400x256xf32, #tpu.memory_space<hbm>>
    tpu.enqueue_dma source(%arg4 : memref<400x256xf32, #tpu.memory_space<vmem>>) target(%dma_start3A_129 : memref<400x256xf32, #tpu.memory_space<hbm>>) target_semaphore(%arg5 : memref<!tpu.dma_semaphore, #tpu.memory_space<semaphore_mem>>)
    %dma_start3A_130 = arith.constant 8192 : i32
    %dma_start3A_131 = tpu.memref_slice %arg3[%mul3A_2, %dma_start3A_130] : memref<12800x16384xf32, #tpu.memory_space<hbm>> -> memref<400x256xf32, #tpu.memory_space<hbm>>
    %dma_start3A_132 = arith.constant 8192 : i32
    %dma_start3A_133 = tpu.memref_slice %arg3[%mul3A_2, %dma_start3A_132] : memref<12800x16384xf32, #tpu.memory_space<hbm>> -> memref<400x256xf32, #tpu.memory_space<hbm>>
    tpu.enqueue_dma source(%arg4 : memref<400x256xf32, #tpu.memory_space<vmem>>) target(%dma_start3A_133 : memref<400x256xf32, #tpu.memory_space<hbm>>) target_semaphore(%arg5 : memref<!tpu.dma_semaphore, #tpu.memory_space<semaphore_mem>>)
    %dma_start3A_134 = arith.constant 8448 : i32
    %dma_start3A_135 = tpu.memref_slice %arg3[%mul3A_2, %dma_start3A_134] : memref<12800x16384xf32, #tpu.memory_space<hbm>> -> memref<400x256xf32, #tpu.memory_space<hbm>>
    %dma_start3A_136 = arith.constant 8448 : i32
    %dma_start3A_137 = tpu.memref_slice %arg3[%mul3A_2, %dma_start3A_136] : memref<12800x16384xf32, #tpu.memory_space<hbm>> -> memref<400x256xf32, #tpu.memory_space<hbm>>
    tpu.enqueue_dma source(%arg4 : memref<400x256xf32, #tpu.memory_space<vmem>>) target(%dma_start3A_137 : memref<400x256xf32, #tpu.memory_space<hbm>>) target_semaphore(%arg5 : memref<!tpu.dma_semaphore, #tpu.memory_space<semaphore_mem>>)
    %dma_start3A_138 = arith.constant 8704 : i32
    %dma_start3A_139 = tpu.memref_slice %arg3[%mul3A_2, %dma_start3A_138] : memref<12800x16384xf32, #tpu.memory_space<hbm>> -> memref<400x256xf32, #tpu.memory_space<hbm>>
    %dma_start3A_140 = arith.constant 8704 : i32
    %dma_start3A_141 = tpu.memref_slice %arg3[%mul3A_2, %dma_start3A_140] : memref<12800x16384xf32, #tpu.memory_space<hbm>> -> memref<400x256xf32, #tpu.memory_space<hbm>>
    tpu.enqueue_dma source(%arg4 : memref<400x256xf32, #tpu.memory_space<vmem>>) target(%dma_start3A_141 : memref<400x256xf32, #tpu.memory_space<hbm>>) target_semaphore(%arg5 : memref<!tpu.dma_semaphore, #tpu.memory_space<semaphore_mem>>)
    %dma_start3A_142 = arith.constant 8960 : i32
    %dma_start3A_143 = tpu.memref_slice %arg3[%mul3A_2, %dma_start3A_142] : memref<12800x16384xf32, #tpu.memory_space<hbm>> -> memref<400x256xf32, #tpu.memory_space<hbm>>
    %dma_start3A_144 = arith.constant 8960 : i32
    %dma_start3A_145 = tpu.memref_slice %arg3[%mul3A_2, %dma_start3A_144] : memref<12800x16384xf32, #tpu.memory_space<hbm>> -> memref<400x256xf32, #tpu.memory_space<hbm>>
    tpu.enqueue_dma source(%arg4 : memref<400x256xf32, #tpu.memory_space<vmem>>) target(%dma_start3A_145 : memref<400x256xf32, #tpu.memory_space<hbm>>) target_semaphore(%arg5 : memref<!tpu.dma_semaphore, #tpu.memory_space<semaphore_mem>>)
    %dma_start3A_146 = arith.constant 9216 : i32
    %dma_start3A_147 = tpu.memref_slice %arg3[%mul3A_2, %dma_start3A_146] : memref<12800x16384xf32, #tpu.memory_space<hbm>> -> memref<400x256xf32, #tpu.memory_space<hbm>>
    %dma_start3A_148 = arith.constant 9216 : i32
    %dma_start3A_149 = tpu.memref_slice %arg3[%mul3A_2, %dma_start3A_148] : memref<12800x16384xf32, #tpu.memory_space<hbm>> -> memref<400x256xf32, #tpu.memory_space<hbm>>
    tpu.enqueue_dma source(%arg4 : memref<400x256xf32, #tpu.memory_space<vmem>>) target(%dma_start3A_149 : memref<400x256xf32, #tpu.memory_space<hbm>>) target_semaphore(%arg5 : memref<!tpu.dma_semaphore, #tpu.memory_space<semaphore_mem>>)
    %dma_start3A_150 = arith.constant 9472 : i32
    %dma_start3A_151 = tpu.memref_slice %arg3[%mul3A_2, %dma_start3A_150] : memref<12800x16384xf32, #tpu.memory_space<hbm>> -> memref<400x256xf32, #tpu.memory_space<hbm>>
    %dma_start3A_152 = arith.constant 9472 : i32
    %dma_start3A_153 = tpu.memref_slice %arg3[%mul3A_2, %dma_start3A_152] : memref<12800x16384xf32, #tpu.memory_space<hbm>> -> memref<400x256xf32, #tpu.memory_space<hbm>>
    tpu.enqueue_dma source(%arg4 : memref<400x256xf32, #tpu.memory_space<vmem>>) target(%dma_start3A_153 : memref<400x256xf32, #tpu.memory_space<hbm>>) target_semaphore(%arg5 : memref<!tpu.dma_semaphore, #tpu.memory_space<semaphore_mem>>)
    %dma_start3A_154 = arith.constant 9728 : i32
    %dma_start3A_155 = tpu.memref_slice %arg3[%mul3A_2, %dma_start3A_154] : memref<12800x16384xf32, #tpu.memory_space<hbm>> -> memref<400x256xf32, #tpu.memory_space<hbm>>
    %dma_start3A_156 = arith.constant 9728 : i32
    %dma_start3A_157 = tpu.memref_slice %arg3[%mul3A_2, %dma_start3A_156] : memref<12800x16384xf32, #tpu.memory_space<hbm>> -> memref<400x256xf32, #tpu.memory_space<hbm>>
    tpu.enqueue_dma source(%arg4 : memref<400x256xf32, #tpu.memory_space<vmem>>) target(%dma_start3A_157 : memref<400x256xf32, #tpu.memory_space<hbm>>) target_semaphore(%arg5 : memref<!tpu.dma_semaphore, #tpu.memory_space<semaphore_mem>>)
    %dma_start3A_158 = arith.constant 9984 : i32
    %dma_start3A_159 = tpu.memref_slice %arg3[%mul3A_2, %dma_start3A_158] : memref<12800x16384xf32, #tpu.memory_space<hbm>> -> memref<400x256xf32, #tpu.memory_space<hbm>>
    %dma_start3A_160 = arith.constant 9984 : i32
    %dma_start3A_161 = tpu.memref_slice %arg3[%mul3A_2, %dma_start3A_160] : memref<12800x16384xf32, #tpu.memory_space<hbm>> -> memref<400x256xf32, #tpu.memory_space<hbm>>
    tpu.enqueue_dma source(%arg4 : memref<400x256xf32, #tpu.memory_space<vmem>>) target(%dma_start3A_161 : memref<400x256xf32, #tpu.memory_space<hbm>>) target_semaphore(%arg5 : memref<!tpu.dma_semaphore, #tpu.memory_space<semaphore_mem>>)
    %dma_start3A_162 = arith.constant 10240 : i32
    %dma_start3A_163 = tpu.memref_slice %arg3[%mul3A_2, %dma_start3A_162] : memref<12800x16384xf32, #tpu.memory_space<hbm>> -> memref<400x256xf32, #tpu.memory_space<hbm>>
    %dma_start3A_164 = arith.constant 10240 : i32
    %dma_start3A_165 = tpu.memref_slice %arg3[%mul3A_2, %dma_start3A_164] : memref<12800x16384xf32, #tpu.memory_space<hbm>> -> memref<400x256xf32, #tpu.memory_space<hbm>>
    tpu.enqueue_dma source(%arg4 : memref<400x256xf32, #tpu.memory_space<vmem>>) target(%dma_start3A_165 : memref<400x256xf32, #tpu.memory_space<hbm>>) target_semaphore(%arg5 : memref<!tpu.dma_semaphore, #tpu.memory_space<semaphore_mem>>)
    %dma_start3A_166 = arith.constant 10496 : i32
    %dma_start3A_167 = tpu.memref_slice %arg3[%mul3A_2, %dma_start3A_166] : memref<12800x16384xf32, #tpu.memory_space<hbm>> -> memref<400x256xf32, #tpu.memory_space<hbm>>
    %dma_start3A_168 = arith.constant 10496 : i32
    %dma_start3A_169 = tpu.memref_slice %arg3[%mul3A_2, %dma_start3A_168] : memref<12800x16384xf32, #tpu.memory_space<hbm>> -> memref<400x256xf32, #tpu.memory_space<hbm>>
    tpu.enqueue_dma source(%arg4 : memref<400x256xf32, #tpu.memory_space<vmem>>) target(%dma_start3A_169 : memref<400x256xf32, #tpu.memory_space<hbm>>) target_semaphore(%arg5 : memref<!tpu.dma_semaphore, #tpu.memory_space<semaphore_mem>>)
    %dma_start3A_170 = arith.constant 10752 : i32
    %dma_start3A_171 = tpu.memref_slice %arg3[%mul3A_2, %dma_start3A_170] : memref<12800x16384xf32, #tpu.memory_space<hbm>> -> memref<400x256xf32, #tpu.memory_space<hbm>>
    %dma_start3A_172 = arith.constant 10752 : i32
    %dma_start3A_173 = tpu.memref_slice %arg3[%mul3A_2, %dma_start3A_172] : memref<12800x16384xf32, #tpu.memory_space<hbm>> -> memref<400x256xf32, #tpu.memory_space<hbm>>
    tpu.enqueue_dma source(%arg4 : memref<400x256xf32, #tpu.memory_space<vmem>>) target(%dma_start3A_173 : memref<400x256xf32, #tpu.memory_space<hbm>>) target_semaphore(%arg5 : memref<!tpu.dma_semaphore, #tpu.memory_space<semaphore_mem>>)
    %dma_start3A_174 = arith.constant 11008 : i32
    %dma_start3A_175 = tpu.memref_slice %arg3[%mul3A_2, %dma_start3A_174] : memref<12800x16384xf32, #tpu.memory_space<hbm>> -> memref<400x256xf32, #tpu.memory_space<hbm>>
    %dma_start3A_176 = arith.constant 11008 : i32
    %dma_start3A_177 = tpu.memref_slice %arg3[%mul3A_2, %dma_start3A_176] : memref<12800x16384xf32, #tpu.memory_space<hbm>> -> memref<400x256xf32, #tpu.memory_space<hbm>>
    tpu.enqueue_dma source(%arg4 : memref<400x256xf32, #tpu.memory_space<vmem>>) target(%dma_start3A_177 : memref<400x256xf32, #tpu.memory_space<hbm>>) target_semaphore(%arg5 : memref<!tpu.dma_semaphore, #tpu.memory_space<semaphore_mem>>)
    %dma_start3A_178 = arith.constant 11264 : i32
    %dma_start3A_179 = tpu.memref_slice %arg3[%mul3A_2, %dma_start3A_178] : memref<12800x16384xf32, #tpu.memory_space<hbm>> -> memref<400x256xf32, #tpu.memory_space<hbm>>
    %dma_start3A_180 = arith.constant 11264 : i32
    %dma_start3A_181 = tpu.memref_slice %arg3[%mul3A_2, %dma_start3A_180] : memref<12800x16384xf32, #tpu.memory_space<hbm>> -> memref<400x256xf32, #tpu.memory_space<hbm>>
    tpu.enqueue_dma source(%arg4 : memref<400x256xf32, #tpu.memory_space<vmem>>) target(%dma_start3A_181 : memref<400x256xf32, #tpu.memory_space<hbm>>) target_semaphore(%arg5 : memref<!tpu.dma_semaphore, #tpu.memory_space<semaphore_mem>>)
    %dma_start3A_182 = arith.constant 11520 : i32
    %dma_start3A_183 = tpu.memref_slice %arg3[%mul3A_2, %dma_start3A_182] : memref<12800x16384xf32, #tpu.memory_space<hbm>> -> memref<400x256xf32, #tpu.memory_space<hbm>>
    %dma_start3A_184 = arith.constant 11520 : i32
    %dma_start3A_185 = tpu.memref_slice %arg3[%mul3A_2, %dma_start3A_184] : memref<12800x16384xf32, #tpu.memory_space<hbm>> -> memref<400x256xf32, #tpu.memory_space<hbm>>
    tpu.enqueue_dma source(%arg4 : memref<400x256xf32, #tpu.memory_space<vmem>>) target(%dma_start3A_185 : memref<400x256xf32, #tpu.memory_space<hbm>>) target_semaphore(%arg5 : memref<!tpu.dma_semaphore, #tpu.memory_space<semaphore_mem>>)
    %dma_start3A_186 = arith.constant 11776 : i32
    %dma_start3A_187 = tpu.memref_slice %arg3[%mul3A_2, %dma_start3A_186] : memref<12800x16384xf32, #tpu.memory_space<hbm>> -> memref<400x256xf32, #tpu.memory_space<hbm>>
    %dma_start3A_188 = arith.constant 11776 : i32
    %dma_start3A_189 = tpu.memref_slice %arg3[%mul3A_2, %dma_start3A_188] : memref<12800x16384xf32, #tpu.memory_space<hbm>> -> memref<400x256xf32, #tpu.memory_space<hbm>>
    tpu.enqueue_dma source(%arg4 : memref<400x256xf32, #tpu.memory_space<vmem>>) target(%dma_start3A_189 : memref<400x256xf32, #tpu.memory_space<hbm>>) target_semaphore(%arg5 : memref<!tpu.dma_semaphore, #tpu.memory_space<semaphore_mem>>)
    %dma_start3A_190 = arith.constant 12032 : i32
    %dma_start3A_191 = tpu.memref_slice %arg3[%mul3A_2, %dma_start3A_190] : memref<12800x16384xf32, #tpu.memory_space<hbm>> -> memref<400x256xf32, #tpu.memory_space<hbm>>
    %dma_start3A_192 = arith.constant 12032 : i32
    %dma_start3A_193 = tpu.memref_slice %arg3[%mul3A_2, %dma_start3A_192] : memref<12800x16384xf32, #tpu.memory_space<hbm>> -> memref<400x256xf32, #tpu.memory_space<hbm>>
    tpu.enqueue_dma source(%arg4 : memref<400x256xf32, #tpu.memory_space<vmem>>) target(%dma_start3A_193 : memref<400x256xf32, #tpu.memory_space<hbm>>) target_semaphore(%arg5 : memref<!tpu.dma_semaphore, #tpu.memory_space<semaphore_mem>>)
    %dma_start3A_194 = arith.constant 12288 : i32
    %dma_start3A_195 = tpu.memref_slice %arg3[%mul3A_2, %dma_start3A_194] : memref<12800x16384xf32, #tpu.memory_space<hbm>> -> memref<400x256xf32, #tpu.memory_space<hbm>>
    %dma_start3A_196 = arith.constant 12288 : i32
    %dma_start3A_197 = tpu.memref_slice %arg3[%mul3A_2, %dma_start3A_196] : memref<12800x16384xf32, #tpu.memory_space<hbm>> -> memref<400x256xf32, #tpu.memory_space<hbm>>
    tpu.enqueue_dma source(%arg4 : memref<400x256xf32, #tpu.memory_space<vmem>>) target(%dma_start3A_197 : memref<400x256xf32, #tpu.memory_space<hbm>>) target_semaphore(%arg5 : memref<!tpu.dma_semaphore, #tpu.memory_space<semaphore_mem>>)
    %dma_start3A_198 = arith.constant 12544 : i32
    %dma_start3A_199 = tpu.memref_slice %arg3[%mul3A_2, %dma_start3A_198] : memref<12800x16384xf32, #tpu.memory_space<hbm>> -> memref<400x256xf32, #tpu.memory_space<hbm>>
    %dma_start3A_200 = arith.constant 12544 : i32
    %dma_start3A_201 = tpu.memref_slice %arg3[%mul3A_2, %dma_start3A_200] : memref<12800x16384xf32, #tpu.memory_space<hbm>> -> memref<400x256xf32, #tpu.memory_space<hbm>>
    tpu.enqueue_dma source(%arg4 : memref<400x256xf32, #tpu.memory_space<vmem>>) target(%dma_start3A_201 : memref<400x256xf32, #tpu.memory_space<hbm>>) target_semaphore(%arg5 : memref<!tpu.dma_semaphore, #tpu.memory_space<semaphore_mem>>)
    %dma_start3A_202 = arith.constant 12800 : i32
    %dma_start3A_203 = tpu.memref_slice %arg3[%mul3A_2, %dma_start3A_202] : memref<12800x16384xf32, #tpu.memory_space<hbm>> -> memref<400x256xf32, #tpu.memory_space<hbm>>
    %dma_start3A_204 = arith.constant 12800 : i32
    %dma_start3A_205 = tpu.memref_slice %arg3[%mul3A_2, %dma_start3A_204] : memref<12800x16384xf32, #tpu.memory_space<hbm>> -> memref<400x256xf32, #tpu.memory_space<hbm>>
    tpu.enqueue_dma source(%arg4 : memref<400x256xf32, #tpu.memory_space<vmem>>) target(%dma_start3A_205 : memref<400x256xf32, #tpu.memory_space<hbm>>) target_semaphore(%arg5 : memref<!tpu.dma_semaphore, #tpu.memory_space<semaphore_mem>>)
    %dma_start3A_206 = arith.constant 13056 : i32
    %dma_start3A_207 = tpu.memref_slice %arg3[%mul3A_2, %dma_start3A_206] : memref<12800x16384xf32, #tpu.memory_space<hbm>> -> memref<400x256xf32, #tpu.memory_space<hbm>>
    %dma_start3A_208 = arith.constant 13056 : i32
    %dma_start3A_209 = tpu.memref_slice %arg3[%mul3A_2, %dma_start3A_208] : memref<12800x16384xf32, #tpu.memory_space<hbm>> -> memref<400x256xf32, #tpu.memory_space<hbm>>
    tpu.enqueue_dma source(%arg4 : memref<400x256xf32, #tpu.memory_space<vmem>>) target(%dma_start3A_209 : memref<400x256xf32, #tpu.memory_space<hbm>>) target_semaphore(%arg5 : memref<!tpu.dma_semaphore, #tpu.memory_space<semaphore_mem>>)
    %dma_start3A_210 = arith.constant 13312 : i32
    %dma_start3A_211 = tpu.memref_slice %arg3[%mul3A_2, %dma_start3A_210] : memref<12800x16384xf32, #tpu.memory_space<hbm>> -> memref<400x256xf32, #tpu.memory_space<hbm>>
    %dma_start3A_212 = arith.constant 13312 : i32
    %dma_start3A_213 = tpu.memref_slice %arg3[%mul3A_2, %dma_start3A_212] : memref<12800x16384xf32, #tpu.memory_space<hbm>> -> memref<400x256xf32, #tpu.memory_space<hbm>>
    tpu.enqueue_dma source(%arg4 : memref<400x256xf32, #tpu.memory_space<vmem>>) target(%dma_start3A_213 : memref<400x256xf32, #tpu.memory_space<hbm>>) target_semaphore(%arg5 : memref<!tpu.dma_semaphore, #tpu.memory_space<semaphore_mem>>)
    %dma_start3A_214 = arith.constant 13568 : i32
    %dma_start3A_215 = tpu.memref_slice %arg3[%mul3A_2, %dma_start3A_214] : memref<12800x16384xf32, #tpu.memory_space<hbm>> -> memref<400x256xf32, #tpu.memory_space<hbm>>
    %dma_start3A_216 = arith.constant 13568 : i32
    %dma_start3A_217 = tpu.memref_slice %arg3[%mul3A_2, %dma_start3A_216] : memref<12800x16384xf32, #tpu.memory_space<hbm>> -> memref<400x256xf32, #tpu.memory_space<hbm>>
    tpu.enqueue_dma source(%arg4 : memref<400x256xf32, #tpu.memory_space<vmem>>) target(%dma_start3A_217 : memref<400x256xf32, #tpu.memory_space<hbm>>) target_semaphore(%arg5 : memref<!tpu.dma_semaphore, #tpu.memory_space<semaphore_mem>>)
    %dma_start3A_218 = arith.constant 13824 : i32
    %dma_start3A_219 = tpu.memref_slice %arg3[%mul3A_2, %dma_start3A_218] : memref<12800x16384xf32, #tpu.memory_space<hbm>> -> memref<400x256xf32, #tpu.memory_space<hbm>>
    %dma_start3A_220 = arith.constant 13824 : i32
    %dma_start3A_221 = tpu.memref_slice %arg3[%mul3A_2, %dma_start3A_220] : memref<12800x16384xf32, #tpu.memory_space<hbm>> -> memref<400x256xf32, #tpu.memory_space<hbm>>
    tpu.enqueue_dma source(%arg4 : memref<400x256xf32, #tpu.memory_space<vmem>>) target(%dma_start3A_221 : memref<400x256xf32, #tpu.memory_space<hbm>>) target_semaphore(%arg5 : memref<!tpu.dma_semaphore, #tpu.memory_space<semaphore_mem>>)
    %dma_start3A_222 = arith.constant 14080 : i32
    %dma_start3A_223 = tpu.memref_slice %arg3[%mul3A_2, %dma_start3A_222] : memref<12800x16384xf32, #tpu.memory_space<hbm>> -> memref<400x256xf32, #tpu.memory_space<hbm>>
    %dma_start3A_224 = arith.constant 14080 : i32
    %dma_start3A_225 = tpu.memref_slice %arg3[%mul3A_2, %dma_start3A_224] : memref<12800x16384xf32, #tpu.memory_space<hbm>> -> memref<400x256xf32, #tpu.memory_space<hbm>>
    tpu.enqueue_dma source(%arg4 : memref<400x256xf32, #tpu.memory_space<vmem>>) target(%dma_start3A_225 : memref<400x256xf32, #tpu.memory_space<hbm>>) target_semaphore(%arg5 : memref<!tpu.dma_semaphore, #tpu.memory_space<semaphore_mem>>)
    %dma_start3A_226 = arith.constant 14336 : i32
    %dma_start3A_227 = tpu.memref_slice %arg3[%mul3A_2, %dma_start3A_226] : memref<12800x16384xf32, #tpu.memory_space<hbm>> -> memref<400x256xf32, #tpu.memory_space<hbm>>
    %dma_start3A_228 = arith.constant 14336 : i32
    %dma_start3A_229 = tpu.memref_slice %arg3[%mul3A_2, %dma_start3A_228] : memref<12800x16384xf32, #tpu.memory_space<hbm>> -> memref<400x256xf32, #tpu.memory_space<hbm>>
    tpu.enqueue_dma source(%arg4 : memref<400x256xf32, #tpu.memory_space<vmem>>) target(%dma_start3A_229 : memref<400x256xf32, #tpu.memory_space<hbm>>) target_semaphore(%arg5 : memref<!tpu.dma_semaphore, #tpu.memory_space<semaphore_mem>>)
    %dma_start3A_230 = arith.constant 14592 : i32
    %dma_start3A_231 = tpu.memref_slice %arg3[%mul3A_2, %dma_start3A_230] : memref<12800x16384xf32, #tpu.memory_space<hbm>> -> memref<400x256xf32, #tpu.memory_space<hbm>>
    %dma_start3A_232 = arith.constant 14592 : i32
    %dma_start3A_233 = tpu.memref_slice %arg3[%mul3A_2, %dma_start3A_232] : memref<12800x16384xf32, #tpu.memory_space<hbm>> -> memref<400x256xf32, #tpu.memory_space<hbm>>
    tpu.enqueue_dma source(%arg4 : memref<400x256xf32, #tpu.memory_space<vmem>>) target(%dma_start3A_233 : memref<400x256xf32, #tpu.memory_space<hbm>>) target_semaphore(%arg5 : memref<!tpu.dma_semaphore, #tpu.memory_space<semaphore_mem>>)
    %dma_start3A_234 = arith.constant 14848 : i32
    %dma_start3A_235 = tpu.memref_slice %arg3[%mul3A_2, %dma_start3A_234] : memref<12800x16384xf32, #tpu.memory_space<hbm>> -> memref<400x256xf32, #tpu.memory_space<hbm>>
    %dma_start3A_236 = arith.constant 14848 : i32
    %dma_start3A_237 = tpu.memref_slice %arg3[%mul3A_2, %dma_start3A_236] : memref<12800x16384xf32, #tpu.memory_space<hbm>> -> memref<400x256xf32, #tpu.memory_space<hbm>>
    tpu.enqueue_dma source(%arg4 : memref<400x256xf32, #tpu.memory_space<vmem>>) target(%dma_start3A_237 : memref<400x256xf32, #tpu.memory_space<hbm>>) target_semaphore(%arg5 : memref<!tpu.dma_semaphore, #tpu.memory_space<semaphore_mem>>)
    %dma_start3A_238 = arith.constant 15104 : i32
    %dma_start3A_239 = tpu.memref_slice %arg3[%mul3A_2, %dma_start3A_238] : memref<12800x16384xf32, #tpu.memory_space<hbm>> -> memref<400x256xf32, #tpu.memory_space<hbm>>
    %dma_start3A_240 = arith.constant 15104 : i32
    %dma_start3A_241 = tpu.memref_slice %arg3[%mul3A_2, %dma_start3A_240] : memref<12800x16384xf32, #tpu.memory_space<hbm>> -> memref<400x256xf32, #tpu.memory_space<hbm>>
    tpu.enqueue_dma source(%arg4 : memref<400x256xf32, #tpu.memory_space<vmem>>) target(%dma_start3A_241 : memref<400x256xf32, #tpu.memory_space<hbm>>) target_semaphore(%arg5 : memref<!tpu.dma_semaphore, #tpu.memory_space<semaphore_mem>>)
    %dma_start3A_242 = arith.constant 15360 : i32
    %dma_start3A_243 = tpu.memref_slice %arg3[%mul3A_2, %dma_start3A_242] : memref<12800x16384xf32, #tpu.memory_space<hbm>> -> memref<400x256xf32, #tpu.memory_space<hbm>>
    %dma_start3A_244 = arith.constant 15360 : i32
    %dma_start3A_245 = tpu.memref_slice %arg3[%mul3A_2, %dma_start3A_244] : memref<12800x16384xf32, #tpu.memory_space<hbm>> -> memref<400x256xf32, #tpu.memory_space<hbm>>
    tpu.enqueue_dma source(%arg4 : memref<400x256xf32, #tpu.memory_space<vmem>>) target(%dma_start3A_245 : memref<400x256xf32, #tpu.memory_space<hbm>>) target_semaphore(%arg5 : memref<!tpu.dma_semaphore, #tpu.memory_space<semaphore_mem>>)
    %dma_start3A_246 = arith.constant 15616 : i32
    %dma_start3A_247 = tpu.memref_slice %arg3[%mul3A_2, %dma_start3A_246] : memref<12800x16384xf32, #tpu.memory_space<hbm>> -> memref<400x256xf32, #tpu.memory_space<hbm>>
    %dma_start3A_248 = arith.constant 15616 : i32
    %dma_start3A_249 = tpu.memref_slice %arg3[%mul3A_2, %dma_start3A_248] : memref<12800x16384xf32, #tpu.memory_space<hbm>> -> memref<400x256xf32, #tpu.memory_space<hbm>>
    tpu.enqueue_dma source(%arg4 : memref<400x256xf32, #tpu.memory_space<vmem>>) target(%dma_start3A_249 : memref<400x256xf32, #tpu.memory_space<hbm>>) target_semaphore(%arg5 : memref<!tpu.dma_semaphore, #tpu.memory_space<semaphore_mem>>)
    %dma_start3A_250 = arith.constant 15872 : i32
    %dma_start3A_251 = tpu.memref_slice %arg3[%mul3A_2, %dma_start3A_250] : memref<12800x16384xf32, #tpu.memory_space<hbm>> -> memref<400x256xf32, #tpu.memory_space<hbm>>
    %dma_start3A_252 = arith.constant 15872 : i32
    %dma_start3A_253 = tpu.memref_slice %arg3[%mul3A_2, %dma_start3A_252] : memref<12800x16384xf32, #tpu.memory_space<hbm>> -> memref<400x256xf32, #tpu.memory_space<hbm>>
    tpu.enqueue_dma source(%arg4 : memref<400x256xf32, #tpu.memory_space<vmem>>) target(%dma_start3A_253 : memref<400x256xf32, #tpu.memory_space<hbm>>) target_semaphore(%arg5 : memref<!tpu.dma_semaphore, #tpu.memory_space<semaphore_mem>>)
    %dma_start3A_254 = arith.constant 16128 : i32
    %dma_start3A_255 = tpu.memref_slice %arg3[%mul3A_2, %dma_start3A_254] : memref<12800x16384xf32, #tpu.memory_space<hbm>> -> memref<400x256xf32, #tpu.memory_space<hbm>>
    %dma_start3A_256 = arith.constant 16128 : i32
    %dma_start3A_257 = tpu.memref_slice %arg3[%mul3A_2, %dma_start3A_256] : memref<12800x16384xf32, #tpu.memory_space<hbm>> -> memref<400x256xf32, #tpu.memory_space<hbm>>
    tpu.enqueue_dma source(%arg4 : memref<400x256xf32, #tpu.memory_space<vmem>>) target(%dma_start3A_257 : memref<400x256xf32, #tpu.memory_space<hbm>>) target_semaphore(%arg5 : memref<!tpu.dma_semaphore, #tpu.memory_space<semaphore_mem>>)
    %dma_wait3A = arith.constant 0 : i32
    %dma_wait3A_258 = tpu.memref_slice %arg3[%mul3A_2, %dma_wait3A] : memref<12800x16384xf32, #tpu.memory_space<hbm>> -> memref<400x256xf32, #tpu.memory_space<hbm>>
    %dma_wait3A_259 = arith.constant 0 : i32
    %dma_wait3A_260 = tpu.memref_slice %arg3[%mul3A_2, %dma_wait3A_259] : memref<12800x16384xf32, #tpu.memory_space<hbm>> -> memref<400x256xf32, #tpu.memory_space<hbm>>
    tpu.wait_dma2 semaphore(%arg5 : memref<!tpu.dma_semaphore, #tpu.memory_space<semaphore_mem>>) src(%arg4 : memref<400x256xf32, #tpu.memory_space<vmem>>) dst(%dma_wait3A_260 : memref<400x256xf32, #tpu.memory_space<hbm>>)
    %dma_wait3A_261 = arith.constant 256 : i32
    %dma_wait3A_262 = tpu.memref_slice %arg3[%mul3A_2, %dma_wait3A_261] : memref<12800x16384xf32, #tpu.memory_space<hbm>> -> memref<400x256xf32, #tpu.memory_space<hbm>>
    %dma_wait3A_263 = arith.constant 256 : i32
    %dma_wait3A_264 = tpu.memref_slice %arg3[%mul3A_2, %dma_wait3A_263] : memref<12800x16384xf32, #tpu.memory_space<hbm>> -> memref<400x256xf32, #tpu.memory_space<hbm>>
    tpu.wait_dma2 semaphore(%arg5 : memref<!tpu.dma_semaphore, #tpu.memory_space<semaphore_mem>>) src(%arg4 : memref<400x256xf32, #tpu.memory_space<vmem>>) dst(%dma_wait3A_264 : memref<400x256xf32, #tpu.memory_space<hbm>>)
    %dma_wait3A_265 = arith.constant 512 : i32
    %dma_wait3A_266 = tpu.memref_slice %arg3[%mul3A_2, %dma_wait3A_265] : memref<12800x16384xf32, #tpu.memory_space<hbm>> -> memref<400x256xf32, #tpu.memory_space<hbm>>
    %dma_wait3A_267 = arith.constant 512 : i32
    %dma_wait3A_268 = tpu.memref_slice %arg3[%mul3A_2, %dma_wait3A_267] : memref<12800x16384xf32, #tpu.memory_space<hbm>> -> memref<400x256xf32, #tpu.memory_space<hbm>>
    tpu.wait_dma2 semaphore(%arg5 : memref<!tpu.dma_semaphore, #tpu.memory_space<semaphore_mem>>) src(%arg4 : memref<400x256xf32, #tpu.memory_space<vmem>>) dst(%dma_wait3A_268 : memref<400x256xf32, #tpu.memory_space<hbm>>)
    %dma_wait3A_269 = arith.constant 768 : i32
    %dma_wait3A_270 = tpu.memref_slice %arg3[%mul3A_2, %dma_wait3A_269] : memref<12800x16384xf32, #tpu.memory_space<hbm>> -> memref<400x256xf32, #tpu.memory_space<hbm>>
    %dma_wait3A_271 = arith.constant 768 : i32
    %dma_wait3A_272 = tpu.memref_slice %arg3[%mul3A_2, %dma_wait3A_271] : memref<12800x16384xf32, #tpu.memory_space<hbm>> -> memref<400x256xf32, #tpu.memory_space<hbm>>
    tpu.wait_dma2 semaphore(%arg5 : memref<!tpu.dma_semaphore, #tpu.memory_space<semaphore_mem>>) src(%arg4 : memref<400x256xf32, #tpu.memory_space<vmem>>) dst(%dma_wait3A_272 : memref<400x256xf32, #tpu.memory_space<hbm>>)
    %dma_wait3A_273 = arith.constant 1024 : i32
    %dma_wait3A_274 = tpu.memref_slice %arg3[%mul3A_2, %dma_wait3A_273] : memref<12800x16384xf32, #tpu.memory_space<hbm>> -> memref<400x256xf32, #tpu.memory_space<hbm>>
    %dma_wait3A_275 = arith.constant 1024 : i32
    %dma_wait3A_276 = tpu.memref_slice %arg3[%mul3A_2, %dma_wait3A_275] : memref<12800x16384xf32, #tpu.memory_space<hbm>> -> memref<400x256xf32, #tpu.memory_space<hbm>>
    tpu.wait_dma2 semaphore(%arg5 : memref<!tpu.dma_semaphore, #tpu.memory_space<semaphore_mem>>) src(%arg4 : memref<400x256xf32, #tpu.memory_space<vmem>>) dst(%dma_wait3A_276 : memref<400x256xf32, #tpu.memory_space<hbm>>)
    %dma_wait3A_277 = arith.constant 1280 : i32
    %dma_wait3A_278 = tpu.memref_slice %arg3[%mul3A_2, %dma_wait3A_277] : memref<12800x16384xf32, #tpu.memory_space<hbm>> -> memref<400x256xf32, #tpu.memory_space<hbm>>
    %dma_wait3A_279 = arith.constant 1280 : i32
    %dma_wait3A_280 = tpu.memref_slice %arg3[%mul3A_2, %dma_wait3A_279] : memref<12800x16384xf32, #tpu.memory_space<hbm>> -> memref<400x256xf32, #tpu.memory_space<hbm>>
    tpu.wait_dma2 semaphore(%arg5 : memref<!tpu.dma_semaphore, #tpu.memory_space<semaphore_mem>>) src(%arg4 : memref<400x256xf32, #tpu.memory_space<vmem>>) dst(%dma_wait3A_280 : memref<400x256xf32, #tpu.memory_space<hbm>>)
    %dma_wait3A_281 = arith.constant 1536 : i32
    %dma_wait3A_282 = tpu.memref_slice %arg3[%mul3A_2, %dma_wait3A_281] : memref<12800x16384xf32, #tpu.memory_space<hbm>> -> memref<400x256xf32, #tpu.memory_space<hbm>>
    %dma_wait3A_283 = arith.constant 1536 : i32
    %dma_wait3A_284 = tpu.memref_slice %arg3[%mul3A_2, %dma_wait3A_283] : memref<12800x16384xf32, #tpu.memory_space<hbm>> -> memref<400x256xf32, #tpu.memory_space<hbm>>
    tpu.wait_dma2 semaphore(%arg5 : memref<!tpu.dma_semaphore, #tpu.memory_space<semaphore_mem>>) src(%arg4 : memref<400x256xf32, #tpu.memory_space<vmem>>) dst(%dma_wait3A_284 : memref<400x256xf32, #tpu.memory_space<hbm>>)
    %dma_wait3A_285 = arith.constant 1792 : i32
    %dma_wait3A_286 = tpu.memref_slice %arg3[%mul3A_2, %dma_wait3A_285] : memref<12800x16384xf32, #tpu.memory_space<hbm>> -> memref<400x256xf32, #tpu.memory_space<hbm>>
    %dma_wait3A_287 = arith.constant 1792 : i32
    %dma_wait3A_288 = tpu.memref_slice %arg3[%mul3A_2, %dma_wait3A_287] : memref<12800x16384xf32, #tpu.memory_space<hbm>> -> memref<400x256xf32, #tpu.memory_space<hbm>>
    tpu.wait_dma2 semaphore(%arg5 : memref<!tpu.dma_semaphore, #tpu.memory_space<semaphore_mem>>) src(%arg4 : memref<400x256xf32, #tpu.memory_space<vmem>>) dst(%dma_wait3A_288 : memref<400x256xf32, #tpu.memory_space<hbm>>)
    %dma_wait3A_289 = arith.constant 2048 : i32
    %dma_wait3A_290 = tpu.memref_slice %arg3[%mul3A_2, %dma_wait3A_289] : memref<12800x16384xf32, #tpu.memory_space<hbm>> -> memref<400x256xf32, #tpu.memory_space<hbm>>
    %dma_wait3A_291 = arith.constant 2048 : i32
    %dma_wait3A_292 = tpu.memref_slice %arg3[%mul3A_2, %dma_wait3A_291] : memref<12800x16384xf32, #tpu.memory_space<hbm>> -> memref<400x256xf32, #tpu.memory_space<hbm>>
    tpu.wait_dma2 semaphore(%arg5 : memref<!tpu.dma_semaphore, #tpu.memory_space<semaphore_mem>>) src(%arg4 : memref<400x256xf32, #tpu.memory_space<vmem>>) dst(%dma_wait3A_292 : memref<400x256xf32, #tpu.memory_space<hbm>>)
    %dma_wait3A_293 = arith.constant 2304 : i32
    %dma_wait3A_294 = tpu.memref_slice %arg3[%mul3A_2, %dma_wait3A_293] : memref<12800x16384xf32, #tpu.memory_space<hbm>> -> memref<400x256xf32, #tpu.memory_space<hbm>>
    %dma_wait3A_295 = arith.constant 2304 : i32
    %dma_wait3A_296 = tpu.memref_slice %arg3[%mul3A_2, %dma_wait3A_295] : memref<12800x16384xf32, #tpu.memory_space<hbm>> -> memref<400x256xf32, #tpu.memory_space<hbm>>
    tpu.wait_dma2 semaphore(%arg5 : memref<!tpu.dma_semaphore, #tpu.memory_space<semaphore_mem>>) src(%arg4 : memref<400x256xf32, #tpu.memory_space<vmem>>) dst(%dma_wait3A_296 : memref<400x256xf32, #tpu.memory_space<hbm>>)
    %dma_wait3A_297 = arith.constant 2560 : i32
    %dma_wait3A_298 = tpu.memref_slice %arg3[%mul3A_2, %dma_wait3A_297] : memref<12800x16384xf32, #tpu.memory_space<hbm>> -> memref<400x256xf32, #tpu.memory_space<hbm>>
    %dma_wait3A_299 = arith.constant 2560 : i32
    %dma_wait3A_300 = tpu.memref_slice %arg3[%mul3A_2, %dma_wait3A_299] : memref<12800x16384xf32, #tpu.memory_space<hbm>> -> memref<400x256xf32, #tpu.memory_space<hbm>>
    tpu.wait_dma2 semaphore(%arg5 : memref<!tpu.dma_semaphore, #tpu.memory_space<semaphore_mem>>) src(%arg4 : memref<400x256xf32, #tpu.memory_space<vmem>>) dst(%dma_wait3A_300 : memref<400x256xf32, #tpu.memory_space<hbm>>)
    %dma_wait3A_301 = arith.constant 2816 : i32
    %dma_wait3A_302 = tpu.memref_slice %arg3[%mul3A_2, %dma_wait3A_301] : memref<12800x16384xf32, #tpu.memory_space<hbm>> -> memref<400x256xf32, #tpu.memory_space<hbm>>
    %dma_wait3A_303 = arith.constant 2816 : i32
    %dma_wait3A_304 = tpu.memref_slice %arg3[%mul3A_2, %dma_wait3A_303] : memref<12800x16384xf32, #tpu.memory_space<hbm>> -> memref<400x256xf32, #tpu.memory_space<hbm>>
    tpu.wait_dma2 semaphore(%arg5 : memref<!tpu.dma_semaphore, #tpu.memory_space<semaphore_mem>>) src(%arg4 : memref<400x256xf32, #tpu.memory_space<vmem>>) dst(%dma_wait3A_304 : memref<400x256xf32, #tpu.memory_space<hbm>>)
    %dma_wait3A_305 = arith.constant 3072 : i32
    %dma_wait3A_306 = tpu.memref_slice %arg3[%mul3A_2, %dma_wait3A_305] : memref<12800x16384xf32, #tpu.memory_space<hbm>> -> memref<400x256xf32, #tpu.memory_space<hbm>>
    %dma_wait3A_307 = arith.constant 3072 : i32
    %dma_wait3A_308 = tpu.memref_slice %arg3[%mul3A_2, %dma_wait3A_307] : memref<12800x16384xf32, #tpu.memory_space<hbm>> -> memref<400x256xf32, #tpu.memory_space<hbm>>
    tpu.wait_dma2 semaphore(%arg5 : memref<!tpu.dma_semaphore, #tpu.memory_space<semaphore_mem>>) src(%arg4 : memref<400x256xf32, #tpu.memory_space<vmem>>) dst(%dma_wait3A_308 : memref<400x256xf32, #tpu.memory_space<hbm>>)
    %dma_wait3A_309 = arith.constant 3328 : i32
    %dma_wait3A_310 = tpu.memref_slice %arg3[%mul3A_2, %dma_wait3A_309] : memref<12800x16384xf32, #tpu.memory_space<hbm>> -> memref<400x256xf32, #tpu.memory_space<hbm>>
    %dma_wait3A_311 = arith.constant 3328 : i32
    %dma_wait3A_312 = tpu.memref_slice %arg3[%mul3A_2, %dma_wait3A_311] : memref<12800x16384xf32, #tpu.memory_space<hbm>> -> memref<400x256xf32, #tpu.memory_space<hbm>>
    tpu.wait_dma2 semaphore(%arg5 : memref<!tpu.dma_semaphore, #tpu.memory_space<semaphore_mem>>) src(%arg4 : memref<400x256xf32, #tpu.memory_space<vmem>>) dst(%dma_wait3A_312 : memref<400x256xf32, #tpu.memory_space<hbm>>)
    %dma_wait3A_313 = arith.constant 3584 : i32
    %dma_wait3A_314 = tpu.memref_slice %arg3[%mul3A_2, %dma_wait3A_313] : memref<12800x16384xf32, #tpu.memory_space<hbm>> -> memref<400x256xf32, #tpu.memory_space<hbm>>
    %dma_wait3A_315 = arith.constant 3584 : i32
    %dma_wait3A_316 = tpu.memref_slice %arg3[%mul3A_2, %dma_wait3A_315] : memref<12800x16384xf32, #tpu.memory_space<hbm>> -> memref<400x256xf32, #tpu.memory_space<hbm>>
    tpu.wait_dma2 semaphore(%arg5 : memref<!tpu.dma_semaphore, #tpu.memory_space<semaphore_mem>>) src(%arg4 : memref<400x256xf32, #tpu.memory_space<vmem>>) dst(%dma_wait3A_316 : memref<400x256xf32, #tpu.memory_space<hbm>>)
    %dma_wait3A_317 = arith.constant 3840 : i32
    %dma_wait3A_318 = tpu.memref_slice %arg3[%mul3A_2, %dma_wait3A_317] : memref<12800x16384xf32, #tpu.memory_space<hbm>> -> memref<400x256xf32, #tpu.memory_space<hbm>>
    %dma_wait3A_319 = arith.constant 3840 : i32
    %dma_wait3A_320 = tpu.memref_slice %arg3[%mul3A_2, %dma_wait3A_319] : memref<12800x16384xf32, #tpu.memory_space<hbm>> -> memref<400x256xf32, #tpu.memory_space<hbm>>
    tpu.wait_dma2 semaphore(%arg5 : memref<!tpu.dma_semaphore, #tpu.memory_space<semaphore_mem>>) src(%arg4 : memref<400x256xf32, #tpu.memory_space<vmem>>) dst(%dma_wait3A_320 : memref<400x256xf32, #tpu.memory_space<hbm>>)
    %dma_wait3A_321 = arith.constant 4096 : i32
    %dma_wait3A_322 = tpu.memref_slice %arg3[%mul3A_2, %dma_wait3A_321] : memref<12800x16384xf32, #tpu.memory_space<hbm>> -> memref<400x256xf32, #tpu.memory_space<hbm>>
    %dma_wait3A_323 = arith.constant 4096 : i32
    %dma_wait3A_324 = tpu.memref_slice %arg3[%mul3A_2, %dma_wait3A_323] : memref<12800x16384xf32, #tpu.memory_space<hbm>> -> memref<400x256xf32, #tpu.memory_space<hbm>>
    tpu.wait_dma2 semaphore(%arg5 : memref<!tpu.dma_semaphore, #tpu.memory_space<semaphore_mem>>) src(%arg4 : memref<400x256xf32, #tpu.memory_space<vmem>>) dst(%dma_wait3A_324 : memref<400x256xf32, #tpu.memory_space<hbm>>)
    %dma_wait3A_325 = arith.constant 4352 : i32
    %dma_wait3A_326 = tpu.memref_slice %arg3[%mul3A_2, %dma_wait3A_325] : memref<12800x16384xf32, #tpu.memory_space<hbm>> -> memref<400x256xf32, #tpu.memory_space<hbm>>
    %dma_wait3A_327 = arith.constant 4352 : i32
    %dma_wait3A_328 = tpu.memref_slice %arg3[%mul3A_2, %dma_wait3A_327] : memref<12800x16384xf32, #tpu.memory_space<hbm>> -> memref<400x256xf32, #tpu.memory_space<hbm>>
    tpu.wait_dma2 semaphore(%arg5 : memref<!tpu.dma_semaphore, #tpu.memory_space<semaphore_mem>>) src(%arg4 : memref<400x256xf32, #tpu.memory_space<vmem>>) dst(%dma_wait3A_328 : memref<400x256xf32, #tpu.memory_space<hbm>>)
    %dma_wait3A_329 = arith.constant 4608 : i32
    %dma_wait3A_330 = tpu.memref_slice %arg3[%mul3A_2, %dma_wait3A_329] : memref<12800x16384xf32, #tpu.memory_space<hbm>> -> memref<400x256xf32, #tpu.memory_space<hbm>>
    %dma_wait3A_331 = arith.constant 4608 : i32
    %dma_wait3A_332 = tpu.memref_slice %arg3[%mul3A_2, %dma_wait3A_331] : memref<12800x16384xf32, #tpu.memory_space<hbm>> -> memref<400x256xf32, #tpu.memory_space<hbm>>
    tpu.wait_dma2 semaphore(%arg5 : memref<!tpu.dma_semaphore, #tpu.memory_space<semaphore_mem>>) src(%arg4 : memref<400x256xf32, #tpu.memory_space<vmem>>) dst(%dma_wait3A_332 : memref<400x256xf32, #tpu.memory_space<hbm>>)
    %dma_wait3A_333 = arith.constant 4864 : i32
    %dma_wait3A_334 = tpu.memref_slice %arg3[%mul3A_2, %dma_wait3A_333] : memref<12800x16384xf32, #tpu.memory_space<hbm>> -> memref<400x256xf32, #tpu.memory_space<hbm>>
    %dma_wait3A_335 = arith.constant 4864 : i32
    %dma_wait3A_336 = tpu.memref_slice %arg3[%mul3A_2, %dma_wait3A_335] : memref<12800x16384xf32, #tpu.memory_space<hbm>> -> memref<400x256xf32, #tpu.memory_space<hbm>>
    tpu.wait_dma2 semaphore(%arg5 : memref<!tpu.dma_semaphore, #tpu.memory_space<semaphore_mem>>) src(%arg4 : memref<400x256xf32, #tpu.memory_space<vmem>>) dst(%dma_wait3A_336 : memref<400x256xf32, #tpu.memory_space<hbm>>)
    %dma_wait3A_337 = arith.constant 5120 : i32
    %dma_wait3A_338 = tpu.memref_slice %arg3[%mul3A_2, %dma_wait3A_337] : memref<12800x16384xf32, #tpu.memory_space<hbm>> -> memref<400x256xf32, #tpu.memory_space<hbm>>
    %dma_wait3A_339 = arith.constant 5120 : i32
    %dma_wait3A_340 = tpu.memref_slice %arg3[%mul3A_2, %dma_wait3A_339] : memref<12800x16384xf32, #tpu.memory_space<hbm>> -> memref<400x256xf32, #tpu.memory_space<hbm>>
    tpu.wait_dma2 semaphore(%arg5 : memref<!tpu.dma_semaphore, #tpu.memory_space<semaphore_mem>>) src(%arg4 : memref<400x256xf32, #tpu.memory_space<vmem>>) dst(%dma_wait3A_340 : memref<400x256xf32, #tpu.memory_space<hbm>>)
    %dma_wait3A_341 = arith.constant 5376 : i32
    %dma_wait3A_342 = tpu.memref_slice %arg3[%mul3A_2, %dma_wait3A_341] : memref<12800x16384xf32, #tpu.memory_space<hbm>> -> memref<400x256xf32, #tpu.memory_space<hbm>>
    %dma_wait3A_343 = arith.constant 5376 : i32
    %dma_wait3A_344 = tpu.memref_slice %arg3[%mul3A_2, %dma_wait3A_343] : memref<12800x16384xf32, #tpu.memory_space<hbm>> -> memref<400x256xf32, #tpu.memory_space<hbm>>
    tpu.wait_dma2 semaphore(%arg5 : memref<!tpu.dma_semaphore, #tpu.memory_space<semaphore_mem>>) src(%arg4 : memref<400x256xf32, #tpu.memory_space<vmem>>) dst(%dma_wait3A_344 : memref<400x256xf32, #tpu.memory_space<hbm>>)
    %dma_wait3A_345 = arith.constant 5632 : i32
    %dma_wait3A_346 = tpu.memref_slice %arg3[%mul3A_2, %dma_wait3A_345] : memref<12800x16384xf32, #tpu.memory_space<hbm>> -> memref<400x256xf32, #tpu.memory_space<hbm>>
    %dma_wait3A_347 = arith.constant 5632 : i32
    %dma_wait3A_348 = tpu.memref_slice %arg3[%mul3A_2, %dma_wait3A_347] : memref<12800x16384xf32, #tpu.memory_space<hbm>> -> memref<400x256xf32, #tpu.memory_space<hbm>>
    tpu.wait_dma2 semaphore(%arg5 : memref<!tpu.dma_semaphore, #tpu.memory_space<semaphore_mem>>) src(%arg4 : memref<400x256xf32, #tpu.memory_space<vmem>>) dst(%dma_wait3A_348 : memref<400x256xf32, #tpu.memory_space<hbm>>)
    %dma_wait3A_349 = arith.constant 5888 : i32
    %dma_wait3A_350 = tpu.memref_slice %arg3[%mul3A_2, %dma_wait3A_349] : memref<12800x16384xf32, #tpu.memory_space<hbm>> -> memref<400x256xf32, #tpu.memory_space<hbm>>
    %dma_wait3A_351 = arith.constant 5888 : i32
    %dma_wait3A_352 = tpu.memref_slice %arg3[%mul3A_2, %dma_wait3A_351] : memref<12800x16384xf32, #tpu.memory_space<hbm>> -> memref<400x256xf32, #tpu.memory_space<hbm>>
    tpu.wait_dma2 semaphore(%arg5 : memref<!tpu.dma_semaphore, #tpu.memory_space<semaphore_mem>>) src(%arg4 : memref<400x256xf32, #tpu.memory_space<vmem>>) dst(%dma_wait3A_352 : memref<400x256xf32, #tpu.memory_space<hbm>>)
    %dma_wait3A_353 = arith.constant 6144 : i32
    %dma_wait3A_354 = tpu.memref_slice %arg3[%mul3A_2, %dma_wait3A_353] : memref<12800x16384xf32, #tpu.memory_space<hbm>> -> memref<400x256xf32, #tpu.memory_space<hbm>>
    %dma_wait3A_355 = arith.constant 6144 : i32
    %dma_wait3A_356 = tpu.memref_slice %arg3[%mul3A_2, %dma_wait3A_355] : memref<12800x16384xf32, #tpu.memory_space<hbm>> -> memref<400x256xf32, #tpu.memory_space<hbm>>
    tpu.wait_dma2 semaphore(%arg5 : memref<!tpu.dma_semaphore, #tpu.memory_space<semaphore_mem>>) src(%arg4 : memref<400x256xf32, #tpu.memory_space<vmem>>) dst(%dma_wait3A_356 : memref<400x256xf32, #tpu.memory_space<hbm>>)
    %dma_wait3A_357 = arith.constant 6400 : i32
    %dma_wait3A_358 = tpu.memref_slice %arg3[%mul3A_2, %dma_wait3A_357] : memref<12800x16384xf32, #tpu.memory_space<hbm>> -> memref<400x256xf32, #tpu.memory_space<hbm>>
    %dma_wait3A_359 = arith.constant 6400 : i32
    %dma_wait3A_360 = tpu.memref_slice %arg3[%mul3A_2, %dma_wait3A_359] : memref<12800x16384xf32, #tpu.memory_space<hbm>> -> memref<400x256xf32, #tpu.memory_space<hbm>>
    tpu.wait_dma2 semaphore(%arg5 : memref<!tpu.dma_semaphore, #tpu.memory_space<semaphore_mem>>) src(%arg4 : memref<400x256xf32, #tpu.memory_space<vmem>>) dst(%dma_wait3A_360 : memref<400x256xf32, #tpu.memory_space<hbm>>)
    %dma_wait3A_361 = arith.constant 6656 : i32
    %dma_wait3A_362 = tpu.memref_slice %arg3[%mul3A_2, %dma_wait3A_361] : memref<12800x16384xf32, #tpu.memory_space<hbm>> -> memref<400x256xf32, #tpu.memory_space<hbm>>
    %dma_wait3A_363 = arith.constant 6656 : i32
    %dma_wait3A_364 = tpu.memref_slice %arg3[%mul3A_2, %dma_wait3A_363] : memref<12800x16384xf32, #tpu.memory_space<hbm>> -> memref<400x256xf32, #tpu.memory_space<hbm>>
    tpu.wait_dma2 semaphore(%arg5 : memref<!tpu.dma_semaphore, #tpu.memory_space<semaphore_mem>>) src(%arg4 : memref<400x256xf32, #tpu.memory_space<vmem>>) dst(%dma_wait3A_364 : memref<400x256xf32, #tpu.memory_space<hbm>>)
    %dma_wait3A_365 = arith.constant 6912 : i32
    %dma_wait3A_366 = tpu.memref_slice %arg3[%mul3A_2, %dma_wait3A_365] : memref<12800x16384xf32, #tpu.memory_space<hbm>> -> memref<400x256xf32, #tpu.memory_space<hbm>>
    %dma_wait3A_367 = arith.constant 6912 : i32
    %dma_wait3A_368 = tpu.memref_slice %arg3[%mul3A_2, %dma_wait3A_367] : memref<12800x16384xf32, #tpu.memory_space<hbm>> -> memref<400x256xf32, #tpu.memory_space<hbm>>
    tpu.wait_dma2 semaphore(%arg5 : memref<!tpu.dma_semaphore, #tpu.memory_space<semaphore_mem>>) src(%arg4 : memref<400x256xf32, #tpu.memory_space<vmem>>) dst(%dma_wait3A_368 : memref<400x256xf32, #tpu.memory_space<hbm>>)
    %dma_wait3A_369 = arith.constant 7168 : i32
    %dma_wait3A_370 = tpu.memref_slice %arg3[%mul3A_2, %dma_wait3A_369] : memref<12800x16384xf32, #tpu.memory_space<hbm>> -> memref<400x256xf32, #tpu.memory_space<hbm>>
    %dma_wait3A_371 = arith.constant 7168 : i32
    %dma_wait3A_372 = tpu.memref_slice %arg3[%mul3A_2, %dma_wait3A_371] : memref<12800x16384xf32, #tpu.memory_space<hbm>> -> memref<400x256xf32, #tpu.memory_space<hbm>>
    tpu.wait_dma2 semaphore(%arg5 : memref<!tpu.dma_semaphore, #tpu.memory_space<semaphore_mem>>) src(%arg4 : memref<400x256xf32, #tpu.memory_space<vmem>>) dst(%dma_wait3A_372 : memref<400x256xf32, #tpu.memory_space<hbm>>)
    %dma_wait3A_373 = arith.constant 7424 : i32
    %dma_wait3A_374 = tpu.memref_slice %arg3[%mul3A_2, %dma_wait3A_373] : memref<12800x16384xf32, #tpu.memory_space<hbm>> -> memref<400x256xf32, #tpu.memory_space<hbm>>
    %dma_wait3A_375 = arith.constant 7424 : i32
    %dma_wait3A_376 = tpu.memref_slice %arg3[%mul3A_2, %dma_wait3A_375] : memref<12800x16384xf32, #tpu.memory_space<hbm>> -> memref<400x256xf32, #tpu.memory_space<hbm>>
    tpu.wait_dma2 semaphore(%arg5 : memref<!tpu.dma_semaphore, #tpu.memory_space<semaphore_mem>>) src(%arg4 : memref<400x256xf32, #tpu.memory_space<vmem>>) dst(%dma_wait3A_376 : memref<400x256xf32, #tpu.memory_space<hbm>>)
    %dma_wait3A_377 = arith.constant 7680 : i32
    %dma_wait3A_378 = tpu.memref_slice %arg3[%mul3A_2, %dma_wait3A_377] : memref<12800x16384xf32, #tpu.memory_space<hbm>> -> memref<400x256xf32, #tpu.memory_space<hbm>>
    %dma_wait3A_379 = arith.constant 7680 : i32
    %dma_wait3A_380 = tpu.memref_slice %arg3[%mul3A_2, %dma_wait3A_379] : memref<12800x16384xf32, #tpu.memory_space<hbm>> -> memref<400x256xf32, #tpu.memory_space<hbm>>
    tpu.wait_dma2 semaphore(%arg5 : memref<!tpu.dma_semaphore, #tpu.memory_space<semaphore_mem>>) src(%arg4 : memref<400x256xf32, #tpu.memory_space<vmem>>) dst(%dma_wait3A_380 : memref<400x256xf32, #tpu.memory_space<hbm>>)
    %dma_wait3A_381 = arith.constant 7936 : i32
    %dma_wait3A_382 = tpu.memref_slice %arg3[%mul3A_2, %dma_wait3A_381] : memref<12800x16384xf32, #tpu.memory_space<hbm>> -> memref<400x256xf32, #tpu.memory_space<hbm>>
    %dma_wait3A_383 = arith.constant 7936 : i32
    %dma_wait3A_384 = tpu.memref_slice %arg3[%mul3A_2, %dma_wait3A_383] : memref<12800x16384xf32, #tpu.memory_space<hbm>> -> memref<400x256xf32, #tpu.memory_space<hbm>>
    tpu.wait_dma2 semaphore(%arg5 : memref<!tpu.dma_semaphore, #tpu.memory_space<semaphore_mem>>) src(%arg4 : memref<400x256xf32, #tpu.memory_space<vmem>>) dst(%dma_wait3A_384 : memref<400x256xf32, #tpu.memory_space<hbm>>)
    %dma_wait3A_385 = arith.constant 8192 : i32
    %dma_wait3A_386 = tpu.memref_slice %arg3[%mul3A_2, %dma_wait3A_385] : memref<12800x16384xf32, #tpu.memory_space<hbm>> -> memref<400x256xf32, #tpu.memory_space<hbm>>
    %dma_wait3A_387 = arith.constant 8192 : i32
    %dma_wait3A_388 = tpu.memref_slice %arg3[%mul3A_2, %dma_wait3A_387] : memref<12800x16384xf32, #tpu.memory_space<hbm>> -> memref<400x256xf32, #tpu.memory_space<hbm>>
    tpu.wait_dma2 semaphore(%arg5 : memref<!tpu.dma_semaphore, #tpu.memory_space<semaphore_mem>>) src(%arg4 : memref<400x256xf32, #tpu.memory_space<vmem>>) dst(%dma_wait3A_388 : memref<400x256xf32, #tpu.memory_space<hbm>>)
    %dma_wait3A_389 = arith.constant 8448 : i32
    %dma_wait3A_390 = tpu.memref_slice %arg3[%mul3A_2, %dma_wait3A_389] : memref<12800x16384xf32, #tpu.memory_space<hbm>> -> memref<400x256xf32, #tpu.memory_space<hbm>>
    %dma_wait3A_391 = arith.constant 8448 : i32
    %dma_wait3A_392 = tpu.memref_slice %arg3[%mul3A_2, %dma_wait3A_391] : memref<12800x16384xf32, #tpu.memory_space<hbm>> -> memref<400x256xf32, #tpu.memory_space<hbm>>
    tpu.wait_dma2 semaphore(%arg5 : memref<!tpu.dma_semaphore, #tpu.memory_space<semaphore_mem>>) src(%arg4 : memref<400x256xf32, #tpu.memory_space<vmem>>) dst(%dma_wait3A_392 : memref<400x256xf32, #tpu.memory_space<hbm>>)
    %dma_wait3A_393 = arith.constant 8704 : i32
    %dma_wait3A_394 = tpu.memref_slice %arg3[%mul3A_2, %dma_wait3A_393] : memref<12800x16384xf32, #tpu.memory_space<hbm>> -> memref<400x256xf32, #tpu.memory_space<hbm>>
    %dma_wait3A_395 = arith.constant 8704 : i32
    %dma_wait3A_396 = tpu.memref_slice %arg3[%mul3A_2, %dma_wait3A_395] : memref<12800x16384xf32, #tpu.memory_space<hbm>> -> memref<400x256xf32, #tpu.memory_space<hbm>>
    tpu.wait_dma2 semaphore(%arg5 : memref<!tpu.dma_semaphore, #tpu.memory_space<semaphore_mem>>) src(%arg4 : memref<400x256xf32, #tpu.memory_space<vmem>>) dst(%dma_wait3A_396 : memref<400x256xf32, #tpu.memory_space<hbm>>)
    %dma_wait3A_397 = arith.constant 8960 : i32
    %dma_wait3A_398 = tpu.memref_slice %arg3[%mul3A_2, %dma_wait3A_397] : memref<12800x16384xf32, #tpu.memory_space<hbm>> -> memref<400x256xf32, #tpu.memory_space<hbm>>
    %dma_wait3A_399 = arith.constant 8960 : i32
    %dma_wait3A_400 = tpu.memref_slice %arg3[%mul3A_2, %dma_wait3A_399] : memref<12800x16384xf32, #tpu.memory_space<hbm>> -> memref<400x256xf32, #tpu.memory_space<hbm>>
    tpu.wait_dma2 semaphore(%arg5 : memref<!tpu.dma_semaphore, #tpu.memory_space<semaphore_mem>>) src(%arg4 : memref<400x256xf32, #tpu.memory_space<vmem>>) dst(%dma_wait3A_400 : memref<400x256xf32, #tpu.memory_space<hbm>>)
    %dma_wait3A_401 = arith.constant 9216 : i32
    %dma_wait3A_402 = tpu.memref_slice %arg3[%mul3A_2, %dma_wait3A_401] : memref<12800x16384xf32, #tpu.memory_space<hbm>> -> memref<400x256xf32, #tpu.memory_space<hbm>>
    %dma_wait3A_403 = arith.constant 9216 : i32
    %dma_wait3A_404 = tpu.memref_slice %arg3[%mul3A_2, %dma_wait3A_403] : memref<12800x16384xf32, #tpu.memory_space<hbm>> -> memref<400x256xf32, #tpu.memory_space<hbm>>
    tpu.wait_dma2 semaphore(%arg5 : memref<!tpu.dma_semaphore, #tpu.memory_space<semaphore_mem>>) src(%arg4 : memref<400x256xf32, #tpu.memory_space<vmem>>) dst(%dma_wait3A_404 : memref<400x256xf32, #tpu.memory_space<hbm>>)
    %dma_wait3A_405 = arith.constant 9472 : i32
    %dma_wait3A_406 = tpu.memref_slice %arg3[%mul3A_2, %dma_wait3A_405] : memref<12800x16384xf32, #tpu.memory_space<hbm>> -> memref<400x256xf32, #tpu.memory_space<hbm>>
    %dma_wait3A_407 = arith.constant 9472 : i32
    %dma_wait3A_408 = tpu.memref_slice %arg3[%mul3A_2, %dma_wait3A_407] : memref<12800x16384xf32, #tpu.memory_space<hbm>> -> memref<400x256xf32, #tpu.memory_space<hbm>>
    tpu.wait_dma2 semaphore(%arg5 : memref<!tpu.dma_semaphore, #tpu.memory_space<semaphore_mem>>) src(%arg4 : memref<400x256xf32, #tpu.memory_space<vmem>>) dst(%dma_wait3A_408 : memref<400x256xf32, #tpu.memory_space<hbm>>)
    %dma_wait3A_409 = arith.constant 9728 : i32
    %dma_wait3A_410 = tpu.memref_slice %arg3[%mul3A_2, %dma_wait3A_409] : memref<12800x16384xf32, #tpu.memory_space<hbm>> -> memref<400x256xf32, #tpu.memory_space<hbm>>
    %dma_wait3A_411 = arith.constant 9728 : i32
    %dma_wait3A_412 = tpu.memref_slice %arg3[%mul3A_2, %dma_wait3A_411] : memref<12800x16384xf32, #tpu.memory_space<hbm>> -> memref<400x256xf32, #tpu.memory_space<hbm>>
    tpu.wait_dma2 semaphore(%arg5 : memref<!tpu.dma_semaphore, #tpu.memory_space<semaphore_mem>>) src(%arg4 : memref<400x256xf32, #tpu.memory_space<vmem>>) dst(%dma_wait3A_412 : memref<400x256xf32, #tpu.memory_space<hbm>>)
    %dma_wait3A_413 = arith.constant 9984 : i32
    %dma_wait3A_414 = tpu.memref_slice %arg3[%mul3A_2, %dma_wait3A_413] : memref<12800x16384xf32, #tpu.memory_space<hbm>> -> memref<400x256xf32, #tpu.memory_space<hbm>>
    %dma_wait3A_415 = arith.constant 9984 : i32
    %dma_wait3A_416 = tpu.memref_slice %arg3[%mul3A_2, %dma_wait3A_415] : memref<12800x16384xf32, #tpu.memory_space<hbm>> -> memref<400x256xf32, #tpu.memory_space<hbm>>
    tpu.wait_dma2 semaphore(%arg5 : memref<!tpu.dma_semaphore, #tpu.memory_space<semaphore_mem>>) src(%arg4 : memref<400x256xf32, #tpu.memory_space<vmem>>) dst(%dma_wait3A_416 : memref<400x256xf32, #tpu.memory_space<hbm>>)
    %dma_wait3A_417 = arith.constant 10240 : i32
    %dma_wait3A_418 = tpu.memref_slice %arg3[%mul3A_2, %dma_wait3A_417] : memref<12800x16384xf32, #tpu.memory_space<hbm>> -> memref<400x256xf32, #tpu.memory_space<hbm>>
    %dma_wait3A_419 = arith.constant 10240 : i32
    %dma_wait3A_420 = tpu.memref_slice %arg3[%mul3A_2, %dma_wait3A_419] : memref<12800x16384xf32, #tpu.memory_space<hbm>> -> memref<400x256xf32, #tpu.memory_space<hbm>>
    tpu.wait_dma2 semaphore(%arg5 : memref<!tpu.dma_semaphore, #tpu.memory_space<semaphore_mem>>) src(%arg4 : memref<400x256xf32, #tpu.memory_space<vmem>>) dst(%dma_wait3A_420 : memref<400x256xf32, #tpu.memory_space<hbm>>)
    %dma_wait3A_421 = arith.constant 10496 : i32
    %dma_wait3A_422 = tpu.memref_slice %arg3[%mul3A_2, %dma_wait3A_421] : memref<12800x16384xf32, #tpu.memory_space<hbm>> -> memref<400x256xf32, #tpu.memory_space<hbm>>
    %dma_wait3A_423 = arith.constant 10496 : i32
    %dma_wait3A_424 = tpu.memref_slice %arg3[%mul3A_2, %dma_wait3A_423] : memref<12800x16384xf32, #tpu.memory_space<hbm>> -> memref<400x256xf32, #tpu.memory_space<hbm>>
    tpu.wait_dma2 semaphore(%arg5 : memref<!tpu.dma_semaphore, #tpu.memory_space<semaphore_mem>>) src(%arg4 : memref<400x256xf32, #tpu.memory_space<vmem>>) dst(%dma_wait3A_424 : memref<400x256xf32, #tpu.memory_space<hbm>>)
    %dma_wait3A_425 = arith.constant 10752 : i32
    %dma_wait3A_426 = tpu.memref_slice %arg3[%mul3A_2, %dma_wait3A_425] : memref<12800x16384xf32, #tpu.memory_space<hbm>> -> memref<400x256xf32, #tpu.memory_space<hbm>>
    %dma_wait3A_427 = arith.constant 10752 : i32
    %dma_wait3A_428 = tpu.memref_slice %arg3[%mul3A_2, %dma_wait3A_427] : memref<12800x16384xf32, #tpu.memory_space<hbm>> -> memref<400x256xf32, #tpu.memory_space<hbm>>
    tpu.wait_dma2 semaphore(%arg5 : memref<!tpu.dma_semaphore, #tpu.memory_space<semaphore_mem>>) src(%arg4 : memref<400x256xf32, #tpu.memory_space<vmem>>) dst(%dma_wait3A_428 : memref<400x256xf32, #tpu.memory_space<hbm>>)
    %dma_wait3A_429 = arith.constant 11008 : i32
    %dma_wait3A_430 = tpu.memref_slice %arg3[%mul3A_2, %dma_wait3A_429] : memref<12800x16384xf32, #tpu.memory_space<hbm>> -> memref<400x256xf32, #tpu.memory_space<hbm>>
    %dma_wait3A_431 = arith.constant 11008 : i32
    %dma_wait3A_432 = tpu.memref_slice %arg3[%mul3A_2, %dma_wait3A_431] : memref<12800x16384xf32, #tpu.memory_space<hbm>> -> memref<400x256xf32, #tpu.memory_space<hbm>>
    tpu.wait_dma2 semaphore(%arg5 : memref<!tpu.dma_semaphore, #tpu.memory_space<semaphore_mem>>) src(%arg4 : memref<400x256xf32, #tpu.memory_space<vmem>>) dst(%dma_wait3A_432 : memref<400x256xf32, #tpu.memory_space<hbm>>)
    %dma_wait3A_433 = arith.constant 11264 : i32
    %dma_wait3A_434 = tpu.memref_slice %arg3[%mul3A_2, %dma_wait3A_433] : memref<12800x16384xf32, #tpu.memory_space<hbm>> -> memref<400x256xf32, #tpu.memory_space<hbm>>
    %dma_wait3A_435 = arith.constant 11264 : i32
    %dma_wait3A_436 = tpu.memref_slice %arg3[%mul3A_2, %dma_wait3A_435] : memref<12800x16384xf32, #tpu.memory_space<hbm>> -> memref<400x256xf32, #tpu.memory_space<hbm>>
    tpu.wait_dma2 semaphore(%arg5 : memref<!tpu.dma_semaphore, #tpu.memory_space<semaphore_mem>>) src(%arg4 : memref<400x256xf32, #tpu.memory_space<vmem>>) dst(%dma_wait3A_436 : memref<400x256xf32, #tpu.memory_space<hbm>>)
    %dma_wait3A_437 = arith.constant 11520 : i32
    %dma_wait3A_438 = tpu.memref_slice %arg3[%mul3A_2, %dma_wait3A_437] : memref<12800x16384xf32, #tpu.memory_space<hbm>> -> memref<400x256xf32, #tpu.memory_space<hbm>>
    %dma_wait3A_439 = arith.constant 11520 : i32
    %dma_wait3A_440 = tpu.memref_slice %arg3[%mul3A_2, %dma_wait3A_439] : memref<12800x16384xf32, #tpu.memory_space<hbm>> -> memref<400x256xf32, #tpu.memory_space<hbm>>
    tpu.wait_dma2 semaphore(%arg5 : memref<!tpu.dma_semaphore, #tpu.memory_space<semaphore_mem>>) src(%arg4 : memref<400x256xf32, #tpu.memory_space<vmem>>) dst(%dma_wait3A_440 : memref<400x256xf32, #tpu.memory_space<hbm>>)
    %dma_wait3A_441 = arith.constant 11776 : i32
    %dma_wait3A_442 = tpu.memref_slice %arg3[%mul3A_2, %dma_wait3A_441] : memref<12800x16384xf32, #tpu.memory_space<hbm>> -> memref<400x256xf32, #tpu.memory_space<hbm>>
    %dma_wait3A_443 = arith.constant 11776 : i32
    %dma_wait3A_444 = tpu.memref_slice %arg3[%mul3A_2, %dma_wait3A_443] : memref<12800x16384xf32, #tpu.memory_space<hbm>> -> memref<400x256xf32, #tpu.memory_space<hbm>>
    tpu.wait_dma2 semaphore(%arg5 : memref<!tpu.dma_semaphore, #tpu.memory_space<semaphore_mem>>) src(%arg4 : memref<400x256xf32, #tpu.memory_space<vmem>>) dst(%dma_wait3A_444 : memref<400x256xf32, #tpu.memory_space<hbm>>)
    %dma_wait3A_445 = arith.constant 12032 : i32
    %dma_wait3A_446 = tpu.memref_slice %arg3[%mul3A_2, %dma_wait3A_445] : memref<12800x16384xf32, #tpu.memory_space<hbm>> -> memref<400x256xf32, #tpu.memory_space<hbm>>
    %dma_wait3A_447 = arith.constant 12032 : i32
    %dma_wait3A_448 = tpu.memref_slice %arg3[%mul3A_2, %dma_wait3A_447] : memref<12800x16384xf32, #tpu.memory_space<hbm>> -> memref<400x256xf32, #tpu.memory_space<hbm>>
    tpu.wait_dma2 semaphore(%arg5 : memref<!tpu.dma_semaphore, #tpu.memory_space<semaphore_mem>>) src(%arg4 : memref<400x256xf32, #tpu.memory_space<vmem>>) dst(%dma_wait3A_448 : memref<400x256xf32, #tpu.memory_space<hbm>>)
    %dma_wait3A_449 = arith.constant 12288 : i32
    %dma_wait3A_450 = tpu.memref_slice %arg3[%mul3A_2, %dma_wait3A_449] : memref<12800x16384xf32, #tpu.memory_space<hbm>> -> memref<400x256xf32, #tpu.memory_space<hbm>>
    %dma_wait3A_451 = arith.constant 12288 : i32
    %dma_wait3A_452 = tpu.memref_slice %arg3[%mul3A_2, %dma_wait3A_451] : memref<12800x16384xf32, #tpu.memory_space<hbm>> -> memref<400x256xf32, #tpu.memory_space<hbm>>
    tpu.wait_dma2 semaphore(%arg5 : memref<!tpu.dma_semaphore, #tpu.memory_space<semaphore_mem>>) src(%arg4 : memref<400x256xf32, #tpu.memory_space<vmem>>) dst(%dma_wait3A_452 : memref<400x256xf32, #tpu.memory_space<hbm>>)
    %dma_wait3A_453 = arith.constant 12544 : i32
    %dma_wait3A_454 = tpu.memref_slice %arg3[%mul3A_2, %dma_wait3A_453] : memref<12800x16384xf32, #tpu.memory_space<hbm>> -> memref<400x256xf32, #tpu.memory_space<hbm>>
    %dma_wait3A_455 = arith.constant 12544 : i32
    %dma_wait3A_456 = tpu.memref_slice %arg3[%mul3A_2, %dma_wait3A_455] : memref<12800x16384xf32, #tpu.memory_space<hbm>> -> memref<400x256xf32, #tpu.memory_space<hbm>>
    tpu.wait_dma2 semaphore(%arg5 : memref<!tpu.dma_semaphore, #tpu.memory_space<semaphore_mem>>) src(%arg4 : memref<400x256xf32, #tpu.memory_space<vmem>>) dst(%dma_wait3A_456 : memref<400x256xf32, #tpu.memory_space<hbm>>)
    %dma_wait3A_457 = arith.constant 12800 : i32
    %dma_wait3A_458 = tpu.memref_slice %arg3[%mul3A_2, %dma_wait3A_457] : memref<12800x16384xf32, #tpu.memory_space<hbm>> -> memref<400x256xf32, #tpu.memory_space<hbm>>
    %dma_wait3A_459 = arith.constant 12800 : i32
    %dma_wait3A_460 = tpu.memref_slice %arg3[%mul3A_2, %dma_wait3A_459] : memref<12800x16384xf32, #tpu.memory_space<hbm>> -> memref<400x256xf32, #tpu.memory_space<hbm>>
    tpu.wait_dma2 semaphore(%arg5 : memref<!tpu.dma_semaphore, #tpu.memory_space<semaphore_mem>>) src(%arg4 : memref<400x256xf32, #tpu.memory_space<vmem>>) dst(%dma_wait3A_460 : memref<400x256xf32, #tpu.memory_space<hbm>>)
    %dma_wait3A_461 = arith.constant 13056 : i32
    %dma_wait3A_462 = tpu.memref_slice %arg3[%mul3A_2, %dma_wait3A_461] : memref<12800x16384xf32, #tpu.memory_space<hbm>> -> memref<400x256xf32, #tpu.memory_space<hbm>>
    %dma_wait3A_463 = arith.constant 13056 : i32
    %dma_wait3A_464 = tpu.memref_slice %arg3[%mul3A_2, %dma_wait3A_463] : memref<12800x16384xf32, #tpu.memory_space<hbm>> -> memref<400x256xf32, #tpu.memory_space<hbm>>
    tpu.wait_dma2 semaphore(%arg5 : memref<!tpu.dma_semaphore, #tpu.memory_space<semaphore_mem>>) src(%arg4 : memref<400x256xf32, #tpu.memory_space<vmem>>) dst(%dma_wait3A_464 : memref<400x256xf32, #tpu.memory_space<hbm>>)
    %dma_wait3A_465 = arith.constant 13312 : i32
    %dma_wait3A_466 = tpu.memref_slice %arg3[%mul3A_2, %dma_wait3A_465] : memref<12800x16384xf32, #tpu.memory_space<hbm>> -> memref<400x256xf32, #tpu.memory_space<hbm>>
    %dma_wait3A_467 = arith.constant 13312 : i32
    %dma_wait3A_468 = tpu.memref_slice %arg3[%mul3A_2, %dma_wait3A_467] : memref<12800x16384xf32, #tpu.memory_space<hbm>> -> memref<400x256xf32, #tpu.memory_space<hbm>>
    tpu.wait_dma2 semaphore(%arg5 : memref<!tpu.dma_semaphore, #tpu.memory_space<semaphore_mem>>) src(%arg4 : memref<400x256xf32, #tpu.memory_space<vmem>>) dst(%dma_wait3A_468 : memref<400x256xf32, #tpu.memory_space<hbm>>)
    %dma_wait3A_469 = arith.constant 13568 : i32
    %dma_wait3A_470 = tpu.memref_slice %arg3[%mul3A_2, %dma_wait3A_469] : memref<12800x16384xf32, #tpu.memory_space<hbm>> -> memref<400x256xf32, #tpu.memory_space<hbm>>
    %dma_wait3A_471 = arith.constant 13568 : i32
    %dma_wait3A_472 = tpu.memref_slice %arg3[%mul3A_2, %dma_wait3A_471] : memref<12800x16384xf32, #tpu.memory_space<hbm>> -> memref<400x256xf32, #tpu.memory_space<hbm>>
    tpu.wait_dma2 semaphore(%arg5 : memref<!tpu.dma_semaphore, #tpu.memory_space<semaphore_mem>>) src(%arg4 : memref<400x256xf32, #tpu.memory_space<vmem>>) dst(%dma_wait3A_472 : memref<400x256xf32, #tpu.memory_space<hbm>>)
    %dma_wait3A_473 = arith.constant 13824 : i32
    %dma_wait3A_474 = tpu.memref_slice %arg3[%mul3A_2, %dma_wait3A_473] : memref<12800x16384xf32, #tpu.memory_space<hbm>> -> memref<400x256xf32, #tpu.memory_space<hbm>>
    %dma_wait3A_475 = arith.constant 13824 : i32
    %dma_wait3A_476 = tpu.memref_slice %arg3[%mul3A_2, %dma_wait3A_475] : memref<12800x16384xf32, #tpu.memory_space<hbm>> -> memref<400x256xf32, #tpu.memory_space<hbm>>
    tpu.wait_dma2 semaphore(%arg5 : memref<!tpu.dma_semaphore, #tpu.memory_space<semaphore_mem>>) src(%arg4 : memref<400x256xf32, #tpu.memory_space<vmem>>) dst(%dma_wait3A_476 : memref<400x256xf32, #tpu.memory_space<hbm>>)
    %dma_wait3A_477 = arith.constant 14080 : i32
    %dma_wait3A_478 = tpu.memref_slice %arg3[%mul3A_2, %dma_wait3A_477] : memref<12800x16384xf32, #tpu.memory_space<hbm>> -> memref<400x256xf32, #tpu.memory_space<hbm>>
    %dma_wait3A_479 = arith.constant 14080 : i32
    %dma_wait3A_480 = tpu.memref_slice %arg3[%mul3A_2, %dma_wait3A_479] : memref<12800x16384xf32, #tpu.memory_space<hbm>> -> memref<400x256xf32, #tpu.memory_space<hbm>>
    tpu.wait_dma2 semaphore(%arg5 : memref<!tpu.dma_semaphore, #tpu.memory_space<semaphore_mem>>) src(%arg4 : memref<400x256xf32, #tpu.memory_space<vmem>>) dst(%dma_wait3A_480 : memref<400x256xf32, #tpu.memory_space<hbm>>)
    %dma_wait3A_481 = arith.constant 14336 : i32
    %dma_wait3A_482 = tpu.memref_slice %arg3[%mul3A_2, %dma_wait3A_481] : memref<12800x16384xf32, #tpu.memory_space<hbm>> -> memref<400x256xf32, #tpu.memory_space<hbm>>
    %dma_wait3A_483 = arith.constant 14336 : i32
    %dma_wait3A_484 = tpu.memref_slice %arg3[%mul3A_2, %dma_wait3A_483] : memref<12800x16384xf32, #tpu.memory_space<hbm>> -> memref<400x256xf32, #tpu.memory_space<hbm>>
    tpu.wait_dma2 semaphore(%arg5 : memref<!tpu.dma_semaphore, #tpu.memory_space<semaphore_mem>>) src(%arg4 : memref<400x256xf32, #tpu.memory_space<vmem>>) dst(%dma_wait3A_484 : memref<400x256xf32, #tpu.memory_space<hbm>>)
    %dma_wait3A_485 = arith.constant 14592 : i32
    %dma_wait3A_486 = tpu.memref_slice %arg3[%mul3A_2, %dma_wait3A_485] : memref<12800x16384xf32, #tpu.memory_space<hbm>> -> memref<400x256xf32, #tpu.memory_space<hbm>>
    %dma_wait3A_487 = arith.constant 14592 : i32
    %dma_wait3A_488 = tpu.memref_slice %arg3[%mul3A_2, %dma_wait3A_487] : memref<12800x16384xf32, #tpu.memory_space<hbm>> -> memref<400x256xf32, #tpu.memory_space<hbm>>
    tpu.wait_dma2 semaphore(%arg5 : memref<!tpu.dma_semaphore, #tpu.memory_space<semaphore_mem>>) src(%arg4 : memref<400x256xf32, #tpu.memory_space<vmem>>) dst(%dma_wait3A_488 : memref<400x256xf32, #tpu.memory_space<hbm>>)
    %dma_wait3A_489 = arith.constant 14848 : i32
    %dma_wait3A_490 = tpu.memref_slice %arg3[%mul3A_2, %dma_wait3A_489] : memref<12800x16384xf32, #tpu.memory_space<hbm>> -> memref<400x256xf32, #tpu.memory_space<hbm>>
    %dma_wait3A_491 = arith.constant 14848 : i32
    %dma_wait3A_492 = tpu.memref_slice %arg3[%mul3A_2, %dma_wait3A_491] : memref<12800x16384xf32, #tpu.memory_space<hbm>> -> memref<400x256xf32, #tpu.memory_space<hbm>>
    tpu.wait_dma2 semaphore(%arg5 : memref<!tpu.dma_semaphore, #tpu.memory_space<semaphore_mem>>) src(%arg4 : memref<400x256xf32, #tpu.memory_space<vmem>>) dst(%dma_wait3A_492 : memref<400x256xf32, #tpu.memory_space<hbm>>)
    %dma_wait3A_493 = arith.constant 15104 : i32
    %dma_wait3A_494 = tpu.memref_slice %arg3[%mul3A_2, %dma_wait3A_493] : memref<12800x16384xf32, #tpu.memory_space<hbm>> -> memref<400x256xf32, #tpu.memory_space<hbm>>
    %dma_wait3A_495 = arith.constant 15104 : i32
    %dma_wait3A_496 = tpu.memref_slice %arg3[%mul3A_2, %dma_wait3A_495] : memref<12800x16384xf32, #tpu.memory_space<hbm>> -> memref<400x256xf32, #tpu.memory_space<hbm>>
    tpu.wait_dma2 semaphore(%arg5 : memref<!tpu.dma_semaphore, #tpu.memory_space<semaphore_mem>>) src(%arg4 : memref<400x256xf32, #tpu.memory_space<vmem>>) dst(%dma_wait3A_496 : memref<400x256xf32, #tpu.memory_space<hbm>>)
    %dma_wait3A_497 = arith.constant 15360 : i32
    %dma_wait3A_498 = tpu.memref_slice %arg3[%mul3A_2, %dma_wait3A_497] : memref<12800x16384xf32, #tpu.memory_space<hbm>> -> memref<400x256xf32, #tpu.memory_space<hbm>>
    %dma_wait3A_499 = arith.constant 15360 : i32
    %dma_wait3A_500 = tpu.memref_slice %arg3[%mul3A_2, %dma_wait3A_499] : memref<12800x16384xf32, #tpu.memory_space<hbm>> -> memref<400x256xf32, #tpu.memory_space<hbm>>
    tpu.wait_dma2 semaphore(%arg5 : memref<!tpu.dma_semaphore, #tpu.memory_space<semaphore_mem>>) src(%arg4 : memref<400x256xf32, #tpu.memory_space<vmem>>) dst(%dma_wait3A_500 : memref<400x256xf32, #tpu.memory_space<hbm>>)
    %dma_wait3A_501 = arith.constant 15616 : i32
    %dma_wait3A_502 = tpu.memref_slice %arg3[%mul3A_2, %dma_wait3A_501] : memref<12800x16384xf32, #tpu.memory_space<hbm>> -> memref<400x256xf32, #tpu.memory_space<hbm>>
    %dma_wait3A_503 = arith.constant 15616 : i32
    %dma_wait3A_504 = tpu.memref_slice %arg3[%mul3A_2, %dma_wait3A_503] : memref<12800x16384xf32, #tpu.memory_space<hbm>> -> memref<400x256xf32, #tpu.memory_space<hbm>>
    tpu.wait_dma2 semaphore(%arg5 : memref<!tpu.dma_semaphore, #tpu.memory_space<semaphore_mem>>) src(%arg4 : memref<400x256xf32, #tpu.memory_space<vmem>>) dst(%dma_wait3A_504 : memref<400x256xf32, #tpu.memory_space<hbm>>)
    %dma_wait3A_505 = arith.constant 15872 : i32
    %dma_wait3A_506 = tpu.memref_slice %arg3[%mul3A_2, %dma_wait3A_505] : memref<12800x16384xf32, #tpu.memory_space<hbm>> -> memref<400x256xf32, #tpu.memory_space<hbm>>
    %dma_wait3A_507 = arith.constant 15872 : i32
    %dma_wait3A_508 = tpu.memref_slice %arg3[%mul3A_2, %dma_wait3A_507] : memref<12800x16384xf32, #tpu.memory_space<hbm>> -> memref<400x256xf32, #tpu.memory_space<hbm>>
    tpu.wait_dma2 semaphore(%arg5 : memref<!tpu.dma_semaphore, #tpu.memory_space<semaphore_mem>>) src(%arg4 : memref<400x256xf32, #tpu.memory_space<vmem>>) dst(%dma_wait3A_508 : memref<400x256xf32, #tpu.memory_space<hbm>>)
    %dma_wait3A_509 = arith.constant 16128 : i32
    %dma_wait3A_510 = tpu.memref_slice %arg3[%mul3A_2, %dma_wait3A_509] : memref<12800x16384xf32, #tpu.memory_space<hbm>> -> memref<400x256xf32, #tpu.memory_space<hbm>>
    %dma_wait3A_511 = arith.constant 16128 : i32
    %dma_wait3A_512 = tpu.memref_slice %arg3[%mul3A_2, %dma_wait3A_511] : memref<12800x16384xf32, #tpu.memory_space<hbm>> -> memref<400x256xf32, #tpu.memory_space<hbm>>
    tpu.wait_dma2 semaphore(%arg5 : memref<!tpu.dma_semaphore, #tpu.memory_space<semaphore_mem>>) src(%arg4 : memref<400x256xf32, #tpu.memory_space<vmem>>) dst(%dma_wait3A_512 : memref<400x256xf32, #tpu.memory_space<hbm>>)
    return
  }
}

module attributes {stable_mosaic.version = 14 : i64} {
  func.func @_seed_body(%arg0: memref<100x128xf32, #tpu.memory_space<vmem>>, %arg1: memref<100x128x256xf32, #tpu.memory_space<vmem>>) attributes {dimension_semantics = [], scalar_prefetch = 0 : i64, scratch_operands = 0 : i64, tpu.core_type = #tpu.core_type<tc>} {
    %get3A = arith.constant 0 : index
    %get3A_0 = arith.constant 0 : index
    %get3A_1 = vector.load %arg0[%get3A, %get3A_0] : memref<100x128xf32, #tpu.memory_space<vmem>>, vector<100x128xf32>
    %broadcast_in_dim3A = vector.shape_cast %get3A_1 : vector<100x128xf32> to vector<100x128x1xf32>
    %broadcast_in_dim3A_2 = vector.shape_cast %broadcast_in_dim3A : vector<100x128x1xf32> to vector<100x128x1xf32>
    %broadcast_in_dim3A_3 = vector.broadcast %broadcast_in_dim3A_2 : vector<100x128x1xf32> to vector<100x128x256xf32>
    %swap3A = arith.constant 0 : index
    %swap3A_4 = arith.constant 0 : index
    %swap3A_5 = arith.constant 0 : index
    %swap3A_6 = vector.load %arg1[%swap3A, %swap3A_4, %swap3A_5] : memref<100x128x256xf32, #tpu.memory_space<vmem>>, vector<100x128x256xf32>
    tpu.vector_store %arg1[%swap3A, %swap3A_4, %swap3A_5], %broadcast_in_dim3A_3 {strides = array<i32>} : memref<100x128x256xf32, #tpu.memory_space<vmem>>, vector<100x128x256xf32>,
    return
  }
}

</mosaic_0001>

<sc_bundles>
// kernel: kernel.4.cloned.1.call-start
scs
__scs_entry_jumppad:
0x0: {  	(pc) =	sbr.rel $0x88, $3  }
0x1: {  	(tag) =	ssettag $0x0;
	lr =	simm.s32 $0x1  }
0x2: {  	[smem:$0x3FA0] =	sst lr;
	_ =	strace $0xD0000000  }
0x3: {  	_ = 	snop  }
0x4: {  	_ = 	snop  }
0x5: {  	_ = 	snop  }
0x6: {  	_ = 	snop  }
0x7: {  	_ = 	snop  }
__scs_overlays_trampoline_lowered:
0x8: {  	[smem:$0x3FAF] =	sst s0  }
0x9: {  	[smem:$0x3FB0] =	sst s1  }
0xa: {  	[smem:$0x3FB1] =	sst s2  }
0xb: {  	[smem:$0x3FB2] =	sst s3  }
0xc: {  	[smem:$0x3FB3] =	sst s4  }
0xd: {  	[smem:$0x3FB4] =	sst s5  }
0xe: {  	[smem:$0x3FB5] =	sst s6  }
0xf: {  	[smem:$0x3FB6] =	sst s7  }
0x10: {  	[smem:$0x3FB7] =	sst s8  }
0x11: {  	[smem:$0x3FB8] =	sst s9;
	s0 =	simm.s32 @!p0 $0x0  }
0x12: {  	s1 =	sld [smem:$0x3F9E];
	s0 =	simm.s32 @p0 $0x1  }
0x13: {  	[smem:$0x3FB9] =	sst s0;
	s0 =	simm.s32 @!p1 $0x0  }
0x14: {  	s2 =	sld [smem:$0x3F9D];
	s0 =	simm.s32 @p1 $0x1  }
0x15: {  	[smem:$0x3FBA] =	sst s0;
	s0 =	simm.s32 @!p2 $0x0  }
0x16: {  	s3 =	sld [smem:$0x3FDB];
	s0 =	simm.s32 @p2 $0x1  }
0x17: {  	s4 =	simm.s32 $0x1BF5;
	[smem:$0x3FBC] =	sst s0  }
0x18: {  	s0 =	sld [smem:$0x3F9F];
	_ =	swait.ge [sflag:s4], $0x0  }
0x19: {  	s7 =	sld [smem:$0x3FA0]  }
0x1a: {  	s8 =	sadd.s32 $0xFFFFE003, lr  }
0x1b: {  	s9 =	sadd.s32 $0xFFFFFEF7, lr;
	s5 =	simm.s32 $0xFFFFFFFF;
	p2 =	slt.u32 s8, $0xFFFFF086  }
0x1c: {  	p1 =	slt.u32 s9, $0xF7A;
	s5 =	simm.s32 @!p2 $0x0  }
0x1d: {  	s5 =	simm.s32 @p1 $0x1;
	p0 =	seq.s32 s7, s2  }
0x1e: {  	s7 =	smul.u32 @!p0 $0xF7A, s2;
	p2 =	seq.s32 @!p0 s5, $0x0  }
0x1f: {  	s9 =	smul.u32 $0xF7A, s1;
	s8 =	simm.s32 @!p0 $0x1BF5;
	p2 =	por !p2, p0  }
0x20: {  	[sflag:s8] =	ssyncset.s32 @!p0 $0xFFFFF086;
	s6 =	sadd.s32 @!p0 s3, s7;
	s7 =	simm.s32 @!p0 $0x108  }
0x21: {  	s3 =	sadd.s32 s3, s9;
	s6 =	sadd.s32 @!p0 $0x88, s6;
	s7 =	simm.s32 @p2 $0x1082  }
0x22: {  	[simem:s7], [sflag:s8] =	dma.local @!p0 [hbm:s6], $0xF7A  }
0x23: {  	s9 =	sor.u32 $0xD0000000, s2;
	s6 =	simm.s32 $0x108;
	_ =	swait.ge @!p0 [sflag:s8], $0x0  }
0x24: {  	s3 =	sadd.s32 $0x88, s3;
	s6 =	simm.s32 @!p1 $0x1082;
	[sflag:s4] =	ssyncset.s32 $0xFFFFF086  }
0x25: {  	[simem:s6], [sflag:s4] =	dma.local [hbm:s3], $0xF7A  }
0x26: {  	[smem:$0x3FA0] =	sst s1;
	(tag) =	ssettag s2;
	_ =	strace s9  }
0x27: {  	s1 =	sld [smem:$0x3FB0]  }
0x28: {  	s2 =	sld [smem:$0x3FB1]  }
0x29: {  	s4 =	sld [smem:$0x3FB3]  }
0x2a: {  	p0 =	seq.s32 s5, $0x0;
	s5 =	sld [smem:$0x3FB4]  }
0x2b: {  	s6 =	sld [smem:$0x3FB5]  }
0x2c: {  	s7 =	sld [smem:$0x3FB6]  }
0x2d: {  	s3 =	simm.s32 $0x108;
	s8 =	sld [smem:$0x3FB7]  }
0x2e: {  	s3 =	simm.s32 @!p0 $0x1082;
	s9 =	sld [smem:$0x3FB8]  }
0x2f: {  	lr =	sadd.s32 s0, s3;
	s0 =	sld [smem:$0x3FAF]  }
0x30: {  	s3 =	sld [smem:$0x3FB2]  }
0x31: {  	[smem:$0x3FBB] =	sst s10  }
0x32: {  	s10 =	sld [smem:$0x3FB9];
	_ =	sdelay $0x3  }
0x33: {  	p0 =	seq.s32 s10, $0x1;
	s10 =	sld [smem:$0x3FBB];
	_ =	sdelay $0x3  }
0x34: {  	[smem:$0x3FBB] =	sst s10  }
0x35: {  	s10 =	sld [smem:$0x3FBA];
	_ =	sdelay $0x3  }
0x36: {  	p1 =	seq.s32 s10, $0x1;
	s10 =	sld [smem:$0x3FBB];
	_ =	sdelay $0x3  }
0x37: {  	[smem:$0x3FBB] =	sst s10  }
0x38: {  	s10 =	sld [smem:$0x3FBC]  }
0x39: {  	_ = 	snop;
	(pc) =	sbr.ind lr, $3  }
0x3a: {  	_ = 	snop  }
0x3b: {  	_ = 	snop  }
0x3c: {  	p2 =	seq.s32 s10, $0x1;
	s10 =	sld [smem:$0x3FBB]  }
0x3d: {  	_ =	shalt  }
0x3e: {  	_ =	shalt  }
0x3f: {  	_ =	shalt  }
0x40: {  	_ =	shalt  }
0x41: {  	_ =	shalt  }
0x42: {  	_ =	shalt  }
0x43: {  	_ =	shalt  }
0x44: {  	_ =	shalt  }
0x45: {  	_ =	shalt  }
0x46: {  	_ =	shalt  }
0x47: {  	_ =	shalt  }
0x48: {  	_ =	shalt  }
0x49: {  	_ =	shalt  }
0x4a: {  	_ =	shalt  }
0x4b: {  	_ =	shalt  }
0x4c: {  	_ =	shalt  }
0x4d: {  	_ =	shalt  }
0x4e: {  	_ =	shalt  }
0x4f: {  	_ =	shalt  }
0x50: {  	_ =	shalt  }
0x51: {  	_ =	shalt  }
0x52: {  	_ =	shalt  }
0x53: {  	_ =	shalt  }
0x54: {  	_ =	shalt  }
0x55: {  	_ =	shalt  }
0x56: {  	_ =	shalt  }
0x57: {  	_ =	shalt  }
0x58: {  	_ =	shalt  }
0x59: {  	_ =	shalt  }
0x5a: {  	_ =	shalt  }
0x5b: {  	_ =	shalt  }
0x5c: {  	_ =	shalt  }
0x5d: {  	_ =	shalt  }
0x5e: {  	_ =	shalt  }
0x5f: {  	_ =	shalt  }
0x60: {  	_ =	shalt  }
0x61: {  	_ =	shalt  }
0x62: {  	_ =	shalt  }
0x63: {  	_ =	shalt  }
0x64: {  	_ =	shalt  }
0x65: {  	_ =	shalt  }
0x66: {  	_ =	shalt  }
0x67: {  	_ =	shalt  }
0x68: {  	_ =	shalt  }
0x69: {  	_ =	shalt  }
0x6a: {  	_ =	shalt  }
0x6b: {  	_ =	shalt  }
0x6c: {  	_ =	shalt  }
0x6d: {  	_ =	shalt  }
0x6e: {  	_ =	shalt  }
0x6f: {  	_ =	shalt  }
0x70: {  	_ =	shalt  }
0x71: {  	_ =	shalt  }
0x72: {  	_ =	shalt  }
0x73: {  	_ =	shalt  }
0x74: {  	_ =	shalt  }
0x75: {  	_ =	shalt  }
0x76: {  	_ =	shalt  }
0x77: {  	_ =	shalt  }
0x78: {  	_ =	shalt  }
0x79: {  	_ =	shalt  }
0x7a: {  	_ =	shalt  }
0x7b: {  	_ =	shalt  }
0x7c: {  	_ =	shalt  }
0x7d: {  	_ =	shalt  }
0x7e: {  	_ =	shalt  }
0x7f: {  	_ =	shalt  }
0x80: {  	_ =	shalt  }
0x81: {  	_ =	shalt  }
0x82: {  	_ =	shalt  }
0x83: {  	_ =	shalt  }
0x84: {  	_ =	shalt  }
0x85: {  	_ =	shalt  }
0x86: {  	_ =	shalt  }
0x87: {  	_ =	shalt  }
.Lfunc_end0:
.L_simem_size_0:
called_computation_lowered:
.L_overlay_start_0:
0x88: {  	s2 =	sld [smem:$0x3FD9]  }
0x89: {  	s3 =	sld [smem:$0x3FFE];
	_ =	sdelay $0x1  }
0x8a: {  	s1 =	srdreg.scid  }
0x8b: {  	s0 =	sand.u32 $0x1, s1  }
0x8c: {  	s17 =	sshll.u32 s0, $0xA;
	s2 =	sadd.s32 s3, s2  }
0x8d: {  	s2 =	sadd.s32 s2, s17  }
0x8e: {  	[smem:$0x3FC7] =	sst s2  }
0x8f: {  	_ = 	snop  }
0x90: {  	s2 =	sld [smem:$0x3FD0];
	(tm) =	ssettm $0x1  }
0x91: {  	s18 =	sld [smem:$0x3FFB];
	_ =	sdelay $0x3  }
0x92: {  	_ =	strace s18  }
0x93: {  	s3 =	sld [smem:$0x3FFC];
	_ =	sdelay $0x3  }
0x94: {  	_ =	strace s3  }
0x95: {  	s3 =	sld [smem:$0x3FFD];
	_ =	sdelay $0x3  }
0x96: {  	_ =	strace s3  }
0x97: {  	_ =	strace $0x8FFFFFFF  }
0x98: {  	s19 =	sld [smem:$0x3FDB];
	_ =	sdelay $0x1  }
0x99: {  	s4 =	simm.s32 $_scs_section_size  }
0x9a: {  	s5 =	simm.s32 $_size__tile_overlayer_lowered;
	s6 =	simm.s32 $_tile_overlayer_lowered  }
0x9b: {  	s22 =	simm.s32 $0x1BFF;
	s21 =	sshll.u32 s6, $0x1;
	s3 =	sadd.s32 s4, s19  }
0x9c: {  	s7 =	simm.s32 $0x0;
	s20 =	sshll.u32 s5, $0x1;
	s5 =	sadd.s32 s21, s3  }
0x9d: {  	[timem:s7], [sflag:s22] =	dma.local [hbm:s5], s20  }
0x9e: {  	_ =	swait.ge [sflag:s22], s20  }
0x9f: {  	s4 =	ssub.s32 $0x0, s20;
	[sflag:s22] =	ssyncset.done $0x0  }
0xa0: {  	[sflag:s22] =	ssyncadd.s32 s4;
	_ =	sdelay $0x1  }
0xa1: {  	s23 =	simm.s32 $0x1B8B  }
0xa2: {  	_ =	swait.ge [sflag:s23], $0x1  }
0xa3: {  	[sflag:s23] =	ssyncset.done $0x0  }
0xa4: {  	s25 =	simm.s32 $0x1B8E;
	s24 =	sld [smem:$0x3FFE];
	[sflag:s23] =	ssyncadd.s32 $0xFFFFFFFF  }
0xa5: {  	s26 =	simm.s32 $execute0_lowered;
	[smem:$0x3FD2] =	sst s25  }
0xa6: {  	s5 =	sshll.u32 s26, $0x1;
	_ =	strace $0x80000046;
	[dreg:$0x1] =	wrdreg $0xFFFFFFFF  }
0xa7: {  	s28 =	simm.s32 $_size_execute0_lowered;
	s3 =	sadd.s32 s3, s5;
	[dreg:$0x0] =	wrdreg $0x0  }
0xa8: {  	s5 =	sshll.u32 s28, $0x1;
	[dreg:$0x2] =	wrdreg s3  }
0xa9: {  	[dreg:$0x3] =	wrdreg s5  }
0xaa: {  	[dreg:$0x4] =	wrdreg $0xC0  }
0xab: {  	_ =	task [dreg:s7], $0x5FFFF  }
0xac: {  	[dreg:$0x1] =	wrdreg $0xFFFFFFFF  }
0xad: {  	[dreg:$0x0] =	wrdreg $0x60  }
0xae: {  	[dreg:$0x2] =	wrdreg s24  }
0xaf: {  	[dreg:$0x3] =	wrdreg s2  }
0xb0: {  	[dreg:$0x4] =	wrdreg $0x9  }
0xb1: {  	_ =	task.clear_ibuf [dreg:s7], $0x5FFFF;
	_ =	strace $0x90000046  }
0xb2: {  	s29 =	simm.s32 $0x9;
	_ =	strace $0x80000048  }
0xb3: {  	_ =	swait.ge [sflag:s29], $0x1  }
0xb4: {  	[sflag:s29] =	ssyncadd.s32 $0xFFFFFFFF  }
0xb5: {  	_ =	strace $0x90000048  }
0xb6: {  	_ =	sfence  }
0xb7: {  	s30 =	sld [smem:$0x0];
	_ =	sdelay $0x2  }
0xb8: {  	s31 =	sshll.u32 s1, $0xD;
	s1 =	sshrl.u32 s1, $0x2  }
0xb9: {  	s3 =	sand.u32 $0x4000, s31;
	s1 =	sadd.s32 s1, s30  }
0xba: {  	s0 =	sor.u32 s3, s0;
	s1 =	sshll.u32 s1, $0x11  }
0xbb: {  	s0 =	sor.u32 s1, s0  }
0xbc: {  	s0 =	sadd.s32 $0x8F2B, s0  }
0xbd: {  	[sflag:s0] =	ssyncadd.remote.s32 $0x1  }
0xbe: {  	_ =	sfence.sel $0xFFFF  }
0xbf: {  	[dreg:$0x0] =	wrdreg $0xFFFFFFFF;
	(pc) =	sbr.abs _section_cstart, $3  }
0xc0: {  	[dreg:$0x1] =	wrdreg $0xFFFFFFFF  }
0xc1: {  	_ =	task.clear_ibuf [dreg:s7], $0x2FFFF;
	_ =	strace $0x9FFFFFFF  }
0xc2: {  	(tm) =	ssettm $0x7FFFFFFF  }
0xc3: {  	_ =	shalt  }
tec
execute0_lowered:
.L_overlay_start_1:
0x0: {  	(tag) =	ssettag $0x1  }
0x1: {  	s0 =	srdreg.scid;
	s2 =	stileid.u32  }
0x2: {  	s1 =	sand.u32 $0x1, s0;
	s7 =	sshll.u32 s2, $0x1  }
0x3: {  	s0 =	sor.u32 s1, s7  }
0x4: {  	s5 =	smul.u32 $0x3200, s0  }
0x5: {  	s8 =	rddreg [dreg:$0x0];
	s0 =	smul.u32 $0xC8000, s0  }
0x6: {  	s4 =	rddreg [dreg:$0x1];
	s3 =	simm.s32 $0x0;
	s2 =	sadd.s32 s5, s8  }
0x7: {  	[smem:$0x7FF] =	sst s3;
	s4 =	sadd.s32 s4, s0;
	s2 =	sadd.s32 $0x600, s2  }
0x8: {  	_ =	strace $0x80000047;
	s0 =	sadd.s32 $0x100, s4;
	[dreg:$0x3] =	wrdreg s2  }
0x9: {  	s9 =	sadd.s32 $0x200, s4;
	[dreg:$0x4] =	wrdreg s0  }
0xa: {  	s10 =	sadd.s32 $0x300, s4;
	[dreg:$0x5] =	wrdreg s9  }
0xb: {  	s11 =	sadd.s32 $0x400, s4;
	[dreg:$0x6] =	wrdreg s10  }
0xc: {  	s12 =	sadd.s32 $0x500, s4;
	[dreg:$0x7] =	wrdreg s11  }
0xd: {  	s13 =	sadd.s32 $0x600, s4;
	[dreg:$0x8] =	wrdreg s12  }
0xe: {  	s14 =	sadd.s32 $0x700, s4;
	[dreg:$0x9] =	wrdreg s13  }
0xf: {  	s15 =	sadd.s32 $0x800, s4;
	[dreg:$0xa] =	wrdreg s14  }
0x10: {  	s16 =	sadd.s32 $0x900, s4;
	[dreg:$0xb] =	wrdreg s15  }
0x11: {  	s17 =	sadd.s32 $0xA00, s4;
	[dreg:$0xc] =	wrdreg s16  }
0x12: {  	s18 =	sadd.s32 $0xB00, s4;
	[dreg:$0xd] =	wrdreg s17  }
0x13: {  	s19 =	sadd.s32 $0xC00, s4;
	[dreg:$0xe] =	wrdreg s18  }
0x14: {  	s20 =	sadd.s32 $0xD00, s4;
	[dreg:$0xf] =	wrdreg s19  }
0x15: {  	s21 =	sadd.s32 $0xE00, s4;
	[dreg:$0x10] =	wrdreg s20  }
0x16: {  	s22 =	sadd.s32 $0xF00, s4;
	[dreg:$0x11] =	wrdreg s21  }
0x17: {  	s23 =	sadd.s32 $0x1000, s4;
	[dreg:$0x12] =	wrdreg s22  }
0x18: {  	s24 =	sadd.s32 $0x1100, s4;
	[dreg:$0x13] =	wrdreg s23  }
0x19: {  	s25 =	sadd.s32 $0x1200, s4;
	[dreg:$0x14] =	wrdreg s24  }
0x1a: {  	s26 =	sadd.s32 $0x1300, s4;
	[dreg:$0x15] =	wrdreg s25  }
0x1b: {  	s5 =	sadd.s32 $0x1500, s4;
	[dreg:$0x16] =	wrdreg s26  }
0x1c: {  	s6 =	sadd.s32 $0x1600, s4;
	[dreg:$0x18] =	wrdreg s5  }
0x1d: {  	s7 =	sadd.s32 $0x1700, s4;
	[dreg:$0x19] =	wrdreg s6  }
0x1e: {  	s8 =	sadd.s32 $0x1800, s4;
	[dreg:$0x1a] =	wrdreg s7  }
0x1f: {  	s2 =	sadd.s32 $0x1400, s4;
	[dreg:$0x1b] =	wrdreg s8  }
0x20: {  	s9 =	sadd.s32 $0x1900, s4;
	[dreg:$0x17] =	wrdreg s2  }
0x21: {  	s10 =	sadd.s32 $0x1A00, s4;
	[dreg:$0x1c] =	wrdreg s9  }
0x22: {  	s11 =	sadd.s32 $0x1B00, s4;
	[dreg:$0x1d] =	wrdreg s10  }
0x23: {  	s12 =	sadd.s32 $0x1C00, s4;
	[dreg:$0x1e] =	wrdreg s11  }
0x24: {  	s13 =	sadd.s32 $0x1D00, s4;
	[dreg:$0x1f] =	wrdreg s12  }
0x25: {  	s14 =	sadd.s32 $0x1E00, s4;
	[smem:$0x7F2] =	sst s13  }
0x26: {  	p0 =	por $0x0, $0x0;
	s15 =	sadd.s32 $0x1F00, s4;
	[smem:$0x7F3] =	sst s14  }
0x27: {  	s31 =	simm.s32 $0x2;
	s16 =	sadd.s32 $0x2000, s4;
	[smem:$0x7F4] =	sst s15  }
0x28: {  	s29 =	simm.s32 $0x800;
	s17 =	sadd.s32 $0x2100, s4;
	[smem:$0x7F5] =	sst s16  }
0x29: {  	s30 =	simm.s32 $0x20000;
	s18 =	sadd.s32 $0x2200, s4;
	[smem:$0x7F6] =	sst s17  }
0x2a: {  	s1 =	ssub.s32 $0x2, s1;
	s19 =	sadd.s32 $0x2300, s4;
	[smem:$0x7F7] =	sst s18  }
0x2b: {  	s28 =	sadd.s32 $0x3F00, s4;
	s20 =	sadd.s32 $0x2400, s4;
	[smem:$0x7F8] =	sst s19  }
0x2c: {  	s21 =	sadd.s32 $0x2500, s4;
	s22 =	sadd.s32 $0x2600, s4;
	[smem:$0x7F9] =	sst s20  }
0x2d: {  	s23 =	sshrl.u32 s1, $0x1;
	s24 =	sadd.s32 $0x2700, s4;
	[smem:$0x7FA] =	sst s21  }
0x2e: {  	s25 =	sadd.s32 $0x2800, s4;
	s5 =	sadd.s32 $0x2900, s4;
	[smem:$0x7FB] =	sst s22  }
0x2f: {  	s6 =	sadd.s32 $0x2A00, s4;
	s7 =	sadd.s32 $0x2B00, s4;
	[smem:$0x7FC] =	sst s24  }
0x30: {  	s8 =	sadd.s32 $0x2C00, s4;
	s1 =	ssub.s32 s1, s23;
	[smem:$0x7FD] =	sst s25  }
0x31: {  	s9 =	sadd.s32 $0x2D00, s4;
	s10 =	sadd.s32 $0x2E00, s4;
	s11 =	sadd.s32 $0x2F00, s4  }
0x32: {  	s12 =	sadd.s32 $0x3000, s4;
	s13 =	sadd.s32 $0x3100, s4;
	s26 =	smax.u32 s1, $0x1  }
0x33: {  	s14 =	sadd.s32 $0x3200, s4;
	s15 =	sadd.s32 $0x3300, s4;
	p1 =	sne.s32 s26, $0x1  }
.Ltmp0:
0x34: {  	s16 =	sadd.s32 $0x3400, s4;
	s17 =	sadd.s32 $0x3500, s4;
	(pc) =	sbr.rel @!p1 .LBB2_3-.Ltmp0, $4  }
0x35: {  	s18 =	sadd.s32 $0x3600, s4;
	s19 =	sadd.s32 $0x3700, s4;
	s20 =	sadd.s32 $0x3800, s4  }
0x36: {  	s21 =	sadd.s32 $0x3900, s4;
	s22 =	sadd.s32 $0x3A00, s4;
	s23 =	sadd.s32 $0x3B00, s4  }
0x37: {  	s24 =	sadd.s32 $0x3C00, s4;
	s25 =	sadd.s32 $0x3D00, s4;
	s2 =	simm.s32 $0x1  }
0x38: {  	s0 =	rddreg [dreg:$0x3];
	s1 =	sadd.s32 $0xFFFFFFFF, s26;
	s26 =	sadd.s32 $0x3E00, s4  }
0x39: {  	[tilespmem:s3], [sflag:$0x2] =	stream.linear.gather [hbm4b:s0+s3], $0x19000, $0x38;
	[tilespmem:$0x19000] =	vst v63  }
0x3a: {  	_ =	swait.ge [sflag:s31], $0x19000  }
0x3b: {  	[sflag:s31] =	ssyncset.done $0x0;
	s0 =	rddreg [dreg:$0x4]  }
0x3c: {  	[smem:$0x7F1] =	sst s1;
	[sflag:s31] =	ssyncadd.s32 $0xFFFE7000  }
0x3d: {  	[hbm4b:s4+s29] =	stream.strided.scatter [tilespmem:s3], [sflag:$0x1], $0x19000, s30, s29, $0x38;
	[tilespmem:$0x19000] =	vst v63  }
0x3e: {  	s1 =	rddreg [dreg:$0x5]  }
0x3f: {  	[hbm4b:s0+s29] =	stream.strided.scatter [tilespmem:s3], [sflag:$0x1], $0x19000, s30, s29, $0x38;
	[tilespmem:$0x19000] =	vst v63  }
0x40: {  	s0 =	rddreg [dreg:$0x6]  }
0x41: {  	[hbm4b:s1+s29] =	stream.strided.scatter [tilespmem:s3], [sflag:$0x1], $0x19000, s30, s29, $0x38;
	[tilespmem:$0x19000] =	vst v63  }
0x42: {  	s1 =	rddreg [dreg:$0x7]  }
0x43: {  	[hbm4b:s0+s29] =	stream.strided.scatter [tilespmem:s3], [sflag:$0x1], $0x19000, s30, s29, $0x38;
	[tilespmem:$0x19000] =	vst v63  }
0x44: {  	s0 =	rddreg [dreg:$0x8]  }
0x45: {  	[hbm4b:s1+s29] =	stream.strided.scatter [tilespmem:s3], [sflag:$0x1], $0x19000, s30, s29, $0x38;
	[tilespmem:$0x19000] =	vst v63  }
0x46: {  	s1 =	rddreg [dreg:$0x9]  }
0x47: {  	[hbm4b:s0+s29] =	stream.strided.scatter [tilespmem:s3], [sflag:$0x1], $0x19000, s30, s29, $0x38;
	[tilespmem:$0x19000] =	vst v63  }
0x48: {  	s0 =	rddreg [dreg:$0xa]  }
0x49: {  	[hbm4b:s1+s29] =	stream.strided.scatter [tilespmem:s3], [sflag:$0x1], $0x19000, s30, s29, $0x38;
	[tilespmem:$0x19000] =	vst v63  }
0x4a: {  	s1 =	rddreg [dreg:$0xb]  }
0x4b: {  	[hbm4b:s0+s29] =	stream.strided.scatter [tilespmem:s3], [sflag:$0x1], $0x19000, s30, s29, $0x38;
	[tilespmem:$0x19000] =	vst v63  }
0x4c: {  	s0 =	rddreg [dreg:$0xc]  }
0x4d: {  	[hbm4b:s1+s29] =	stream.strided.scatter [tilespmem:s3], [sflag:$0x1], $0x19000, s30, s29, $0x38;
	[tilespmem:$0x19000] =	vst v63  }
0x4e: {  	s1 =	rddreg [dreg:$0xd]  }
0x4f: {  	[hbm4b:s0+s29] =	stream.strided.scatter [tilespmem:s3], [sflag:$0x1], $0x19000, s30, s29, $0x38;
	[tilespmem:$0x19000] =	vst v63  }
0x50: {  	s0 =	rddreg [dreg:$0xe]  }
0x51: {  	[hbm4b:s1+s29] =	stream.strided.scatter [tilespmem:s3], [sflag:$0x1], $0x19000, s30, s29, $0x38;
	[tilespmem:$0x19000] =	vst v63  }
0x52: {  	s1 =	rddreg [dreg:$0xf]  }
0x53: {  	[hbm4b:s0+s29] =	stream.strided.scatter [tilespmem:s3], [sflag:$0x1], $0x19000, s30, s29, $0x38;
	[tilespmem:$0x19000] =	vst v63  }
0x54: {  	s0 =	rddreg [dreg:$0x10]  }
0x55: {  	[hbm4b:s1+s29] =	stream.strided.scatter [tilespmem:s3], [sflag:$0x1], $0x19000, s30, s29, $0x38;
	[tilespmem:$0x19000] =	vst v63  }
0x56: {  	s1 =	rddreg [dreg:$0x11]  }
0x57: {  	[hbm4b:s0+s29] =	stream.strided.scatter [tilespmem:s3], [sflag:$0x1], $0x19000, s30, s29, $0x38;
	[tilespmem:$0x19000] =	vst v63  }
0x58: {  	s0 =	rddreg [dreg:$0x12]  }
0x59: {  	[hbm4b:s1+s29] =	stream.strided.scatter [tilespmem:s3], [sflag:$0x1], $0x19000, s30, s29, $0x38;
	[tilespmem:$0x19000] =	vst v63  }
0x5a: {  	s1 =	rddreg [dreg:$0x13]  }
0x5b: {  	[hbm4b:s0+s29] =	stream.strided.scatter [tilespmem:s3], [sflag:$0x1], $0x19000, s30, s29, $0x38;
	[tilespmem:$0x19000] =	vst v63  }
0x5c: {  	s0 =	rddreg [dreg:$0x14]  }
0x5d: {  	[hbm4b:s1+s29] =	stream.strided.scatter [tilespmem:s3], [sflag:$0x1], $0x19000, s30, s29, $0x38;
	[tilespmem:$0x19000] =	vst v63  }
0x5e: {  	s1 =	rddreg [dreg:$0x15]  }
0x5f: {  	[hbm4b:s0+s29] =	stream.strided.scatter [tilespmem:s3], [sflag:$0x1], $0x19000, s30, s29, $0x38;
	[tilespmem:$0x19000] =	vst v63  }
0x60: {  	s0 =	rddreg [dreg:$0x16]  }
0x61: {  	[hbm4b:s1+s29] =	stream.strided.scatter [tilespmem:s3], [sflag:$0x1], $0x19000, s30, s29, $0x38;
	[tilespmem:$0x19000] =	vst v63  }
0x62: {  	s1 =	rddreg [dreg:$0x17]  }
0x63: {  	[hbm4b:s0+s29] =	stream.strided.scatter [tilespmem:s3], [sflag:$0x1], $0x19000, s30, s29, $0x38;
	[tilespmem:$0x19000] =	vst v63  }
0x64: {  	s0 =	rddreg [dreg:$0x18]  }
0x65: {  	[hbm4b:s1+s29] =	stream.strided.scatter [tilespmem:s3], [sflag:$0x1], $0x19000, s30, s29, $0x38;
	[tilespmem:$0x19000] =	vst v63  }
0x66: {  	s1 =	rddreg [dreg:$0x19]  }
0x67: {  	[hbm4b:s0+s29] =	stream.strided.scatter [tilespmem:s3], [sflag:$0x1], $0x19000, s30, s29, $0x38;
	[tilespmem:$0x19000] =	vst v63  }
0x68: {  	s0 =	rddreg [dreg:$0x1a]  }
0x69: {  	[hbm4b:s1+s29] =	stream.strided.scatter [tilespmem:s3], [sflag:$0x1], $0x19000, s30, s29, $0x38;
	[tilespmem:$0x19000] =	vst v63  }
0x6a: {  	s1 =	rddreg [dreg:$0x1b]  }
0x6b: {  	[hbm4b:s0+s29] =	stream.strided.scatter [tilespmem:s3], [sflag:$0x1], $0x19000, s30, s29, $0x38;
	[tilespmem:$0x19000] =	vst v63  }
0x6c: {  	s0 =	rddreg [dreg:$0x1c]  }
0x6d: {  	[hbm4b:s1+s29] =	stream.strided.scatter [tilespmem:s3], [sflag:$0x1], $0x19000, s30, s29, $0x38;
	[tilespmem:$0x19000] =	vst v63  }
0x6e: {  	s1 =	rddreg [dreg:$0x1d]  }
0x6f: {  	[hbm4b:s0+s29] =	stream.strided.scatter [tilespmem:s3], [sflag:$0x1], $0x19000, s30, s29, $0x38;
	[tilespmem:$0x19000] =	vst v63  }
0x70: {  	s0 =	rddreg [dreg:$0x1e]  }
0x71: {  	[hbm4b:s1+s29] =	stream.strided.scatter [tilespmem:s3], [sflag:$0x1], $0x19000, s30, s29, $0x38;
	[tilespmem:$0x19000] =	vst v63  }
0x72: {  	s1 =	rddreg [dreg:$0x1f]  }
0x73: {  	[hbm4b:s0+s29] =	stream.strided.scatter [tilespmem:s3], [sflag:$0x1], $0x19000, s30, s29, $0x38;
	[tilespmem:$0x19000] =	vst v63  }
0x74: {  	s0 =	sld [smem:$0x7F2]  }
0x75: {  	[hbm4b:s1+s29] =	stream.strided.scatter [tilespmem:s3], [sflag:$0x1], $0x19000, s30, s29, $0x38;
	[tilespmem:$0x19000] =	vst v63  }
0x76: {  	s1 =	sld [smem:$0x7F3]  }
0x77: {  	[hbm4b:s0+s29] =	stream.strided.scatter [tilespmem:s3], [sflag:$0x1], $0x19000, s30, s29, $0x38;
	[tilespmem:$0x19000] =	vst v63  }
0x78: {  	s0 =	sld [smem:$0x7F4]  }
0x79: {  	[hbm4b:s1+s29] =	stream.strided.scatter [tilespmem:s3], [sflag:$0x1], $0x19000, s30, s29, $0x38;
	[tilespmem:$0x19000] =	vst v63  }
0x7a: {  	s1 =	sld [smem:$0x7F5]  }
0x7b: {  	[hbm4b:s0+s29] =	stream.strided.scatter [tilespmem:s3], [sflag:$0x1], $0x19000, s30, s29, $0x38;
	[tilespmem:$0x19000] =	vst v63  }
0x7c: {  	s0 =	sld [smem:$0x7F6]  }
0x7d: {  	[hbm4b:s1+s29] =	stream.strided.scatter [tilespmem:s3], [sflag:$0x1], $0x19000, s30, s29, $0x38;
	[tilespmem:$0x19000] =	vst v63  }
0x7e: {  	s1 =	sld [smem:$0x7F7]  }
0x7f: {  	[hbm4b:s0+s29] =	stream.strided.scatter [tilespmem:s3], [sflag:$0x1], $0x19000, s30, s29, $0x38;
	[tilespmem:$0x19000] =	vst v63  }
0x80: {  	s0 =	sld [smem:$0x7F8]  }
0x81: {  	[hbm4b:s1+s29] =	stream.strided.scatter [tilespmem:s3], [sflag:$0x1], $0x19000, s30, s29, $0x38;
	[tilespmem:$0x19000] =	vst v63  }
0x82: {  	s1 =	sld [smem:$0x7F9]  }
0x83: {  	[hbm4b:s0+s29] =	stream.strided.scatter [tilespmem:s3], [sflag:$0x1], $0x19000, s30, s29, $0x38;
	[tilespmem:$0x19000] =	vst v63  }
0x84: {  	s0 =	sld [smem:$0x7FA]  }
0x85: {  	[hbm4b:s1+s29] =	stream.strided.scatter [tilespmem:s3], [sflag:$0x1], $0x19000, s30, s29, $0x38;
	[tilespmem:$0x19000] =	vst v63  }
0x86: {  	s1 =	sld [smem:$0x7FB]  }
0x87: {  	[hbm4b:s0+s29] =	stream.strided.scatter [tilespmem:s3], [sflag:$0x1], $0x19000, s30, s29, $0x38;
	[tilespmem:$0x19000] =	vst v63  }
0x88: {  	s0 =	sld [smem:$0x7FC]  }
0x89: {  	[hbm4b:s1+s29] =	stream.strided.scatter [tilespmem:s3], [sflag:$0x1], $0x19000, s30, s29, $0x38;
	[tilespmem:$0x19000] =	vst v63  }
0x8a: {  	s1 =	sld [smem:$0x7FD]  }
0x8b: {  	[hbm4b:s0+s29] =	stream.strided.scatter [tilespmem:s3], [sflag:$0x1], $0x19000, s30, s29, $0x38;
	[tilespmem:$0x19000] =	vst v63  }
0x8c: {  	_ = 	snop  }
0x8d: {  	[hbm4b:s1+s29] =	stream.strided.scatter [tilespmem:s3], [sflag:$0x1], $0x19000, s30, s29, $0x38;
	[tilespmem:$0x19000] =	vst v63  }
0x8e: {  	_ = 	snop  }
0x8f: {  	[hbm4b:s5+s29] =	stream.strided.scatter [tilespmem:s3], [sflag:$0x1], $0x19000, s30, s29, $0x38;
	[tilespmem:$0x19000] =	vst v63  }
0x90: {  	_ = 	snop  }
0x91: {  	[hbm4b:s6+s29] =	stream.strided.scatter [tilespmem:s3], [sflag:$0x1], $0x19000, s30, s29, $0x38;
	[tilespmem:$0x19000] =	vst v63  }
0x92: {  	_ = 	snop  }
0x93: {  	[hbm4b:s7+s29] =	stream.strided.scatter [tilespmem:s3], [sflag:$0x1], $0x19000, s30, s29, $0x38;
	[tilespmem:$0x19000] =	vst v63  }
0x94: {  	_ = 	snop  }
0x95: {  	[hbm4b:s8+s29] =	stream.strided.scatter [tilespmem:s3], [sflag:$0x1], $0x19000, s30, s29, $0x38;
	[tilespmem:$0x19000] =	vst v63  }
0x96: {  	_ = 	snop  }
0x97: {  	[hbm4b:s9+s29] =	stream.strided.scatter [tilespmem:s3], [sflag:$0x1], $0x19000, s30, s29, $0x38;
	[tilespmem:$0x19000] =	vst v63  }
0x98: {  	_ = 	snop  }
0x99: {  	[hbm4b:s10+s29] =	stream.strided.scatter [tilespmem:s3], [sflag:$0x1], $0x19000, s30, s29, $0x38;
	[tilespmem:$0x19000] =	vst v63  }
0x9a: {  	_ = 	snop  }
0x9b: {  	[hbm4b:s11+s29] =	stream.strided.scatter [tilespmem:s3], [sflag:$0x1], $0x19000, s30, s29, $0x38;
	[tilespmem:$0x19000] =	vst v63  }
0x9c: {  	_ = 	snop  }
0x9d: {  	[hbm4b:s12+s29] =	stream.strided.scatter [tilespmem:s3], [sflag:$0x1], $0x19000, s30, s29, $0x38;
	[tilespmem:$0x19000] =	vst v63  }
0x9e: {  	_ = 	snop  }
0x9f: {  	[hbm4b:s13+s29] =	stream.strided.scatter [tilespmem:s3], [sflag:$0x1], $0x19000, s30, s29, $0x38;
	[tilespmem:$0x19000] =	vst v63  }
0xa0: {  	_ = 	snop  }
0xa1: {  	[hbm4b:s14+s29] =	stream.strided.scatter [tilespmem:s3], [sflag:$0x1], $0x19000, s30, s29, $0x38;
	[tilespmem:$0x19000] =	vst v63  }
0xa2: {  	_ = 	snop  }
0xa3: {  	[hbm4b:s15+s29] =	stream.strided.scatter [tilespmem:s3], [sflag:$0x1], $0x19000, s30, s29, $0x38;
	[tilespmem:$0x19000] =	vst v63  }
0xa4: {  	_ = 	snop  }
0xa5: {  	[hbm4b:s16+s29] =	stream.strided.scatter [tilespmem:s3], [sflag:$0x1], $0x19000, s30, s29, $0x38;
	[tilespmem:$0x19000] =	vst v63  }
0xa6: {  	_ = 	snop  }
0xa7: {  	[hbm4b:s17+s29] =	stream.strided.scatter [tilespmem:s3], [sflag:$0x1], $0x19000, s30, s29, $0x38;
	[tilespmem:$0x19000] =	vst v63  }
0xa8: {  	_ = 	snop  }
0xa9: {  	[hbm4b:s18+s29] =	stream.strided.scatter [tilespmem:s3], [sflag:$0x1], $0x19000, s30, s29, $0x38;
	[tilespmem:$0x19000] =	vst v63  }
0xaa: {  	_ = 	snop  }
0xab: {  	[hbm4b:s19+s29] =	stream.strided.scatter [tilespmem:s3], [sflag:$0x1], $0x19000, s30, s29, $0x38;
	[tilespmem:$0x19000] =	vst v63  }
0xac: {  	_ = 	snop  }
0xad: {  	[hbm4b:s20+s29] =	stream.strided.scatter [tilespmem:s3], [sflag:$0x1], $0x19000, s30, s29, $0x38;
	[tilespmem:$0x19000] =	vst v63  }
0xae: {  	_ = 	snop  }
0xaf: {  	[hbm4b:s21+s29] =	stream.strided.scatter [tilespmem:s3], [sflag:$0x1], $0x19000, s30, s29, $0x38;
	[tilespmem:$0x19000] =	vst v63  }
0xb0: {  	_ = 	snop  }
0xb1: {  	[hbm4b:s22+s29] =	stream.strided.scatter [tilespmem:s3], [sflag:$0x1], $0x19000, s30, s29, $0x38;
	[tilespmem:$0x19000] =	vst v63  }
0xb2: {  	_ = 	snop  }
0xb3: {  	[hbm4b:s23+s29] =	stream.strided.scatter [tilespmem:s3], [sflag:$0x1], $0x19000, s30, s29, $0x38;
	[tilespmem:$0x19000] =	vst v63  }
0xb4: {  	_ = 	snop  }
0xb5: {  	[hbm4b:s24+s29] =	stream.strided.scatter [tilespmem:s3], [sflag:$0x1], $0x19000, s30, s29, $0x38;
	[tilespmem:$0x19000] =	vst v63  }
0xb6: {  	_ = 	snop  }
0xb7: {  	[hbm4b:s25+s29] =	stream.strided.scatter [tilespmem:s3], [sflag:$0x1], $0x19000, s30, s29, $0x38;
	[tilespmem:$0x19000] =	vst v63  }
0xb8: {  	_ = 	snop  }
0xb9: {  	[hbm4b:s26+s29] =	stream.strided.scatter [tilespmem:s3], [sflag:$0x1], $0x19000, s30, s29, $0x38;
	[tilespmem:$0x19000] =	vst v63  }
0xba: {  	_ = 	snop  }
0xbb: {  	[hbm4b:s28+s29] =	stream.strided.scatter [tilespmem:s3], [sflag:$0x1], $0x19000, s30, s29, $0x38;
	[tilespmem:$0x19000] =	vst v63  }
0xbc: {  	_ =	swait.ge [sflag:s2], $0x19000  }
0xbd: {  	[sflag:s2] =	ssyncset.done $0x0  }
0xbe: {  	[sflag:s2] =	ssyncadd.s32 $0xFFFE7000  }
0xbf: {  	_ =	swait.ge [sflag:s2], $0x19000  }
0xc0: {  	[sflag:s2] =	ssyncset.done $0x0  }
0xc1: {  	[sflag:s2] =	ssyncadd.s32 $0xFFFE7000  }
0xc2: {  	_ =	swait.ge [sflag:s2], $0x19000  }
0xc3: {  	[sflag:s2] =	ssyncset.done $0x0  }
0xc4: {  	[sflag:s2] =	ssyncadd.s32 $0xFFFE7000  }
0xc5: {  	_ =	swait.ge [sflag:s2], $0x19000  }
0xc6: {  	[sflag:s2] =	ssyncset.done $0x0  }
0xc7: {  	[sflag:s2] =	ssyncadd.s32 $0xFFFE7000  }
0xc8: {  	_ =	swait.ge [sflag:s2], $0x19000  }
0xc9: {  	[sflag:s2] =	ssyncset.done $0x0  }
0xca: {  	[sflag:s2] =	ssyncadd.s32 $0xFFFE7000  }
0xcb: {  	_ =	swait.ge [sflag:s2], $0x19000  }
0xcc: {  	[sflag:s2] =	ssyncset.done $0x0  }
0xcd: {  	[sflag:s2] =	ssyncadd.s32 $0xFFFE7000  }
0xce: {  	_ =	swait.ge [sflag:s2], $0x19000  }
0xcf: {  	[sflag:s2] =	ssyncset.done $0x0  }
0xd0: {  	[sflag:s2] =	ssyncadd.s32 $0xFFFE7000  }
0xd1: {  	_ =	swait.ge [sflag:s2], $0x19000  }
0xd2: {  	[sflag:s2] =	ssyncset.done $0x0  }
0xd3: {  	[sflag:s2] =	ssyncadd.s32 $0xFFFE7000  }
0xd4: {  	_ =	swait.ge [sflag:s2], $0x19000  }
0xd5: {  	[sflag:s2] =	ssyncset.done $0x0  }
0xd6: {  	[sflag:s2] =	ssyncadd.s32 $0xFFFE7000  }
0xd7: {  	_ =	swait.ge [sflag:s2], $0x19000  }
0xd8: {  	[sflag:s2] =	ssyncset.done $0x0  }
0xd9: {  	[sflag:s2] =	ssyncadd.s32 $0xFFFE7000  }
0xda: {  	_ =	swait.ge [sflag:s2], $0x19000  }
0xdb: {  	[sflag:s2] =	ssyncset.done $0x0  }
0xdc: {  	[sflag:s2] =	ssyncadd.s32 $0xFFFE7000  }
0xdd: {  	_ =	swait.ge [sflag:s2], $0x19000  }
0xde: {  	[sflag:s2] =	ssyncset.done $0x0  }
0xdf: {  	[sflag:s2] =	ssyncadd.s32 $0xFFFE7000  }
0xe0: {  	_ =	swait.ge [sflag:s2], $0x19000  }
0xe1: {  	[sflag:s2] =	ssyncset.done $0x0  }
0xe2: {  	[sflag:s2] =	ssyncadd.s32 $0xFFFE7000  }
0xe3: {  	_ =	swait.ge [sflag:s2], $0x19000  }
0xe4: {  	[sflag:s2] =	ssyncset.done $0x0  }
0xe5: {  	[sflag:s2] =	ssyncadd.s32 $0xFFFE7000  }
0xe6: {  	_ =	swait.ge [sflag:s2], $0x19000  }
0xe7: {  	[sflag:s2] =	ssyncset.done $0x0  }
0xe8: {  	[sflag:s2] =	ssyncadd.s32 $0xFFFE7000  }
0xe9: {  	_ =	swait.ge [sflag:s2], $0x19000  }
0xea: {  	[sflag:s2] =	ssyncset.done $0x0  }
0xeb: {  	[sflag:s2] =	ssyncadd.s32 $0xFFFE7000  }
0xec: {  	_ =	swait.ge [sflag:s2], $0x19000  }
0xed: {  	[sflag:s2] =	ssyncset.done $0x0  }
0xee: {  	[sflag:s2] =	ssyncadd.s32 $0xFFFE7000  }
0xef: {  	_ =	swait.ge [sflag:s2], $0x19000  }
0xf0: {  	[sflag:s2] =	ssyncset.done $0x0  }
0xf1: {  	[sflag:s2] =	ssyncadd.s32 $0xFFFE7000  }
0xf2: {  	_ =	swait.ge [sflag:s2], $0x19000  }
0xf3: {  	[sflag:s2] =	ssyncset.done $0x0  }
0xf4: {  	[sflag:s2] =	ssyncadd.s32 $0xFFFE7000  }
0xf5: {  	_ =	swait.ge [sflag:s2], $0x19000  }
0xf6: {  	[sflag:s2] =	ssyncset.done $0x0  }
0xf7: {  	[sflag:s2] =	ssyncadd.s32 $0xFFFE7000  }
0xf8: {  	_ =	swait.ge [sflag:s2], $0x19000  }
0xf9: {  	[sflag:s2] =	ssyncset.done $0x0  }
0xfa: {  	[sflag:s2] =	ssyncadd.s32 $0xFFFE7000  }
0xfb: {  	_ =	swait.ge [sflag:s2], $0x19000  }
0xfc: {  	[sflag:s2] =	ssyncset.done $0x0  }
0xfd: {  	[sflag:s2] =	ssyncadd.s32 $0xFFFE7000  }
0xfe: {  	_ =	swait.ge [sflag:s2], $0x19000  }
0xff: {  	[sflag:s2] =	ssyncset.done $0x0  }
0x100: {  	[sflag:s2] =	ssyncadd.s32 $0xFFFE7000  }
0x101: {  	_ =	swait.ge [sflag:s2], $0x19000  }
0x102: {  	[sflag:s2] =	ssyncset.done $0x0  }
0x103: {  	[sflag:s2] =	ssyncadd.s32 $0xFFFE7000  }
0x104: {  	_ =	swait.ge [sflag:s2], $0x19000  }
0x105: {  	[sflag:s2] =	ssyncset.done $0x0  }
0x106: {  	[sflag:s2] =	ssyncadd.s32 $0xFFFE7000  }
0x107: {  	_ =	swait.ge [sflag:s2], $0x19000  }
0x108: {  	[sflag:s2] =	ssyncset.done $0x0  }
0x109: {  	[sflag:s2] =	ssyncadd.s32 $0xFFFE7000  }
0x10a: {  	_ =	swait.ge [sflag:s2], $0x19000  }
0x10b: {  	[sflag:s2] =	ssyncset.done $0x0  }
0x10c: {  	[sflag:s2] =	ssyncadd.s32 $0xFFFE7000  }
0x10d: {  	_ =	swait.ge [sflag:s2], $0x19000  }
0x10e: {  	[sflag:s2] =	ssyncset.done $0x0  }
0x10f: {  	[sflag:s2] =	ssyncadd.s32 $0xFFFE7000  }
0x110: {  	_ =	swait.ge [sflag:s2], $0x19000  }
0x111: {  	[sflag:s2] =	ssyncset.done $0x0  }
0x112: {  	[sflag:s2] =	ssyncadd.s32 $0xFFFE7000  }
0x113: {  	_ =	swait.ge [sflag:s2], $0x19000  }
0x114: {  	[sflag:s2] =	ssyncset.done $0x0  }
0x115: {  	[sflag:s2] =	ssyncadd.s32 $0xFFFE7000  }
0x116: {  	_ =	swait.ge [sflag:s2], $0x19000  }
0x117: {  	[sflag:s2] =	ssyncset.done $0x0  }
0x118: {  	[sflag:s2] =	ssyncadd.s32 $0xFFFE7000  }
0x119: {  	_ =	swait.ge [sflag:s2], $0x19000  }
0x11a: {  	[sflag:s2] =	ssyncset.done $0x0  }
0x11b: {  	[sflag:s2] =	ssyncadd.s32 $0xFFFE7000  }
0x11c: {  	_ =	swait.ge [sflag:s2], $0x19000  }
0x11d: {  	[sflag:s2] =	ssyncset.done $0x0  }
0x11e: {  	[sflag:s2] =	ssyncadd.s32 $0xFFFE7000  }
0x11f: {  	_ =	swait.ge [sflag:s2], $0x19000  }
0x120: {  	[sflag:s2] =	ssyncset.done $0x0  }
0x121: {  	[sflag:s2] =	ssyncadd.s32 $0xFFFE7000  }
0x122: {  	_ =	swait.ge [sflag:s2], $0x19000  }
0x123: {  	[sflag:s2] =	ssyncset.done $0x0  }
0x124: {  	[sflag:s2] =	ssyncadd.s32 $0xFFFE7000  }
0x125: {  	_ =	swait.ge [sflag:s2], $0x19000  }
0x126: {  	[sflag:s2] =	ssyncset.done $0x0  }
0x127: {  	[sflag:s2] =	ssyncadd.s32 $0xFFFE7000  }
0x128: {  	_ =	swait.ge [sflag:s2], $0x19000  }
0x129: {  	[sflag:s2] =	ssyncset.done $0x0  }
0x12a: {  	[sflag:s2] =	ssyncadd.s32 $0xFFFE7000  }
0x12b: {  	_ =	swait.ge [sflag:s2], $0x19000  }
0x12c: {  	[sflag:s2] =	ssyncset.done $0x0  }
0x12d: {  	[sflag:s2] =	ssyncadd.s32 $0xFFFE7000  }
0x12e: {  	_ =	swait.ge [sflag:s2], $0x19000  }
0x12f: {  	[sflag:s2] =	ssyncset.done $0x0  }
0x130: {  	[sflag:s2] =	ssyncadd.s32 $0xFFFE7000  }
0x131: {  	_ =	swait.ge [sflag:s2], $0x19000  }
0x132: {  	[sflag:s2] =	ssyncset.done $0x0  }
0x133: {  	[sflag:s2] =	ssyncadd.s32 $0xFFFE7000  }
0x134: {  	_ =	swait.ge [sflag:s2], $0x19000  }
0x135: {  	[sflag:s2] =	ssyncset.done $0x0  }
0x136: {  	[sflag:s2] =	ssyncadd.s32 $0xFFFE7000  }
0x137: {  	_ =	swait.ge [sflag:s2], $0x19000  }
0x138: {  	[sflag:s2] =	ssyncset.done $0x0  }
0x139: {  	[sflag:s2] =	ssyncadd.s32 $0xFFFE7000  }
0x13a: {  	_ =	swait.ge [sflag:s2], $0x19000  }
0x13b: {  	[sflag:s2] =	ssyncset.done $0x0  }
0x13c: {  	[sflag:s2] =	ssyncadd.s32 $0xFFFE7000  }
0x13d: {  	_ =	swait.ge [sflag:s2], $0x19000  }
0x13e: {  	[sflag:s2] =	ssyncset.done $0x0  }
0x13f: {  	[sflag:s2] =	ssyncadd.s32 $0xFFFE7000  }
0x140: {  	_ =	swait.ge [sflag:s2], $0x19000  }
0x141: {  	[sflag:s2] =	ssyncset.done $0x0  }
0x142: {  	[sflag:s2] =	ssyncadd.s32 $0xFFFE7000  }
0x143: {  	_ =	swait.ge [sflag:s2], $0x19000  }
0x144: {  	[sflag:s2] =	ssyncset.done $0x0  }
0x145: {  	[sflag:s2] =	ssyncadd.s32 $0xFFFE7000  }
0x146: {  	_ =	swait.ge [sflag:s2], $0x19000  }
0x147: {  	[sflag:s2] =	ssyncset.done $0x0  }
0x148: {  	[sflag:s2] =	ssyncadd.s32 $0xFFFE7000  }
0x149: {  	_ =	swait.ge [sflag:s2], $0x19000  }
0x14a: {  	[sflag:s2] =	ssyncset.done $0x0  }
0x14b: {  	[sflag:s2] =	ssyncadd.s32 $0xFFFE7000  }
0x14c: {  	_ =	swait.ge [sflag:s2], $0x19000  }
0x14d: {  	[sflag:s2] =	ssyncset.done $0x0  }
0x14e: {  	[sflag:s2] =	ssyncadd.s32 $0xFFFE7000  }
0x14f: {  	_ =	swait.ge [sflag:s2], $0x19000  }
0x150: {  	[sflag:s2] =	ssyncset.done $0x0  }
0x151: {  	[sflag:s2] =	ssyncadd.s32 $0xFFFE7000  }
0x152: {  	_ =	swait.ge [sflag:s2], $0x19000  }
0x153: {  	[sflag:s2] =	ssyncset.done $0x0  }
0x154: {  	[sflag:s2] =	ssyncadd.s32 $0xFFFE7000  }
0x155: {  	_ =	swait.ge [sflag:s2], $0x19000  }
0x156: {  	[sflag:s2] =	ssyncset.done $0x0  }
0x157: {  	[sflag:s2] =	ssyncadd.s32 $0xFFFE7000  }
0x158: {  	_ =	swait.ge [sflag:s2], $0x19000  }
0x159: {  	[sflag:s2] =	ssyncset.done $0x0  }
0x15a: {  	[sflag:s2] =	ssyncadd.s32 $0xFFFE7000  }
0x15b: {  	_ =	swait.ge [sflag:s2], $0x19000  }
0x15c: {  	[sflag:s2] =	ssyncset.done $0x0  }
0x15d: {  	[sflag:s2] =	ssyncadd.s32 $0xFFFE7000  }
0x15e: {  	_ =	swait.ge [sflag:s2], $0x19000  }
0x15f: {  	[sflag:s2] =	ssyncset.done $0x0  }
0x160: {  	[sflag:s2] =	ssyncadd.s32 $0xFFFE7000  }
0x161: {  	_ =	swait.ge [sflag:s2], $0x19000  }
0x162: {  	[sflag:s2] =	ssyncset.done $0x0  }
0x163: {  	[sflag:s2] =	ssyncadd.s32 $0xFFFE7000  }
0x164: {  	_ =	swait.ge [sflag:s2], $0x19000  }
0x165: {  	[sflag:s2] =	ssyncset.done $0x0  }
0x166: {  	[sflag:s2] =	ssyncadd.s32 $0xFFFE7000  }
0x167: {  	_ =	swait.ge [sflag:s2], $0x19000  }
0x168: {  	[sflag:s2] =	ssyncset.done $0x0  }
0x169: {  	[sflag:s2] =	ssyncadd.s32 $0xFFFE7000  }
0x16a: {  	_ =	swait.ge [sflag:s2], $0x19000  }
0x16b: {  	[sflag:s2] =	ssyncset.done $0x0  }
0x16c: {  	[sflag:s2] =	ssyncadd.s32 $0xFFFE7000  }
0x16d: {  	_ =	swait.ge [sflag:s2], $0x19000  }
0x16e: {  	[sflag:s2] =	ssyncset.done $0x0  }
0x16f: {  	[sflag:s2] =	ssyncadd.s32 $0xFFFE7000  }
0x170: {  	_ =	swait.ge [sflag:s2], $0x19000  }
0x171: {  	[sflag:s2] =	ssyncset.done $0x0  }
0x172: {  	[sflag:s2] =	ssyncadd.s32 $0xFFFE7000  }
0x173: {  	_ =	swait.ge [sflag:s2], $0x19000  }
0x174: {  	[sflag:s2] =	ssyncset.done $0x0  }
0x175: {  	[sflag:s2] =	ssyncadd.s32 $0xFFFE7000  }
0x176: {  	_ =	swait.ge [sflag:s2], $0x19000  }
0x177: {  	s1 =	sld [smem:$0x7F1];
	_ =	sdelay $0x2  }
0x178: {  	p1 =	sne.s32 s1, $0x1  }
.Ltmp1:
0x179: {  	_ = 	snop;
	(pc) =	sbr.rel @!p1 .LBB2_3-.Ltmp1, $4  }
0x17a: {  	[sflag:s2] =	ssyncset.done $0x0  }
0x17b: {  	[sflag:s2] =	ssyncadd.s32 $0xFFFE7000  }
0x17c: {  	p0 =	por $0x1, $0x1;
	_ =	swait.ge [sflag:s2], $0x19000  }
0x17d: {  	s1 =	sadd.s32 $0xFFFFFFFF, s1;
	s0 =	rddreg [dreg:$0x3];
	[sflag:s2] =	ssyncset.done $0x0  }
.LBB2_2:
0x17e: {  	[sflag:s2] =	ssyncadd.s32 $0xFFFE7000  }
0x17f: {  	[tilespmem:s3], [sflag:$0x2] =	stream.linear.gather [hbm4b:s0+s3], $0x19000, $0x38;
	[tilespmem:$0x19000] =	vst v63  }
0x180: {  	_ =	swait.ge [sflag:s31], $0x19000  }
0x181: {  	[sflag:s31] =	ssyncset.done $0x0  }
0x182: {  	s0 =	rddreg [dreg:$0x4];
	[sflag:s31] =	ssyncadd.s32 $0xFFFE7000;
	s31 =	smov.u32 s4  }
0x183: {  	[hbm4b:s4+s29] =	stream.strided.scatter [tilespmem:s3], [sflag:$0x1], $0x19000, s30, s29, $0x38;
	[tilespmem:$0x19000] =	vst v63  }
0x184: {  	s4 =	smov.u32 s28;
	s28 =	smov.u32 s26;
	s26 =	smov.u32 s25  }
0x185: {  	s25 =	smov.u32 s24;
	s24 =	smov.u32 s23;
	s23 =	smov.u32 s22  }
0x186: {  	s22 =	smov.u32 s21;
	s21 =	smov.u32 s20;
	s20 =	smov.u32 s19  }
0x187: {  	s19 =	smov.u32 s18;
	s18 =	smov.u32 s17;
	s17 =	smov.u32 s16  }
0x188: {  	s16 =	smov.u32 s15;
	s15 =	smov.u32 s14;
	s14 =	smov.u32 s13  }
0x189: {  	s13 =	smov.u32 s12;
	s12 =	smov.u32 s11;
	s11 =	smov.u32 s10  }
0x18a: {  	s10 =	smov.u32 s9;
	s9 =	smov.u32 s8;
	s8 =	smov.u32 s7  }
0x18b: {  	s7 =	smov.u32 s6;
	s6 =	smov.u32 s5;
	s5 =	rddreg [dreg:$0x5]  }
0x18c: {  	[hbm4b:s0+s29] =	stream.strided.scatter [tilespmem:s3], [sflag:$0x1], $0x19000, s30, s29, $0x38;
	[tilespmem:$0x19000] =	vst v63  }
0x18d: {  	s0 =	rddreg [dreg:$0x6]  }
0x18e: {  	[hbm4b:s5+s29] =	stream.strided.scatter [tilespmem:s3], [sflag:$0x1], $0x19000, s30, s29, $0x38;
	[tilespmem:$0x19000] =	vst v63  }
0x18f: {  	s5 =	rddreg [dreg:$0x7]  }
0x190: {  	[hbm4b:s0+s29] =	stream.strided.scatter [tilespmem:s3], [sflag:$0x1], $0x19000, s30, s29, $0x38;
	[tilespmem:$0x19000] =	vst v63  }
0x191: {  	s0 =	rddreg [dreg:$0x8]  }
0x192: {  	[hbm4b:s5+s29] =	stream.strided.scatter [tilespmem:s3], [sflag:$0x1], $0x19000, s30, s29, $0x38;
	[tilespmem:$0x19000] =	vst v63  }
0x193: {  	s5 =	rddreg [dreg:$0x9]  }
0x194: {  	[hbm4b:s0+s29] =	stream.strided.scatter [tilespmem:s3], [sflag:$0x1], $0x19000, s30, s29, $0x38;
	[tilespmem:$0x19000] =	vst v63  }
0x195: {  	s0 =	rddreg [dreg:$0xa]  }
0x196: {  	[hbm4b:s5+s29] =	stream.strided.scatter [tilespmem:s3], [sflag:$0x1], $0x19000, s30, s29, $0x38;
	[tilespmem:$0x19000] =	vst v63  }
0x197: {  	s5 =	rddreg [dreg:$0xb]  }
0x198: {  	[hbm4b:s0+s29] =	stream.strided.scatter [tilespmem:s3], [sflag:$0x1], $0x19000, s30, s29, $0x38;
	[tilespmem:$0x19000] =	vst v63  }
0x199: {  	s0 =	rddreg [dreg:$0xc]  }
0x19a: {  	[hbm4b:s5+s29] =	stream.strided.scatter [tilespmem:s3], [sflag:$0x1], $0x19000, s30, s29, $0x38;
	[tilespmem:$0x19000] =	vst v63  }
0x19b: {  	s5 =	rddreg [dreg:$0xd]  }
0x19c: {  	[hbm4b:s0+s29] =	stream.strided.scatter [tilespmem:s3], [sflag:$0x1], $0x19000, s30, s29, $0x38;
	[tilespmem:$0x19000] =	vst v63  }
0x19d: {  	s0 =	rddreg [dreg:$0xe]  }
0x19e: {  	[hbm4b:s5+s29] =	stream.strided.scatter [tilespmem:s3], [sflag:$0x1], $0x19000, s30, s29, $0x38;
	[tilespmem:$0x19000] =	vst v63  }
0x19f: {  	s5 =	rddreg [dreg:$0xf]  }
0x1a0: {  	[hbm4b:s0+s29] =	stream.strided.scatter [tilespmem:s3], [sflag:$0x1], $0x19000, s30, s29, $0x38;
	[tilespmem:$0x19000] =	vst v63  }
0x1a1: {  	s0 =	rddreg [dreg:$0x10]  }
0x1a2: {  	[hbm4b:s5+s29] =	stream.strided.scatter [tilespmem:s3], [sflag:$0x1], $0x19000, s30, s29, $0x38;
	[tilespmem:$0x19000] =	vst v63  }
0x1a3: {  	s5 =	rddreg [dreg:$0x11]  }
0x1a4: {  	[hbm4b:s0+s29] =	stream.strided.scatter [tilespmem:s3], [sflag:$0x1], $0x19000, s30, s29, $0x38;
	[tilespmem:$0x19000] =	vst v63  }
0x1a5: {  	s0 =	rddreg [dreg:$0x12]  }
0x1a6: {  	[hbm4b:s5+s29] =	stream.strided.scatter [tilespmem:s3], [sflag:$0x1], $0x19000, s30, s29, $0x38;
	[tilespmem:$0x19000] =	vst v63  }
0x1a7: {  	s5 =	rddreg [dreg:$0x13]  }
0x1a8: {  	[hbm4b:s0+s29] =	stream.strided.scatter [tilespmem:s3], [sflag:$0x1], $0x19000, s30, s29, $0x38;
	[tilespmem:$0x19000] =	vst v63  }
0x1a9: {  	s0 =	rddreg [dreg:$0x14]  }
0x1aa: {  	[hbm4b:s5+s29] =	stream.strided.scatter [tilespmem:s3], [sflag:$0x1], $0x19000, s30, s29, $0x38;
	[tilespmem:$0x19000] =	vst v63  }
0x1ab: {  	s5 =	rddreg [dreg:$0x15]  }
0x1ac: {  	[hbm4b:s0+s29] =	stream.strided.scatter [tilespmem:s3], [sflag:$0x1], $0x19000, s30, s29, $0x38;
	[tilespmem:$0x19000] =	vst v63  }
0x1ad: {  	s0 =	rddreg [dreg:$0x16]  }
0x1ae: {  	[hbm4b:s5+s29] =	stream.strided.scatter [tilespmem:s3], [sflag:$0x1], $0x19000, s30, s29, $0x38;
	[tilespmem:$0x19000] =	vst v63  }
0x1af: {  	s5 =	rddreg [dreg:$0x17]  }
0x1b0: {  	[hbm4b:s0+s29] =	stream.strided.scatter [tilespmem:s3], [sflag:$0x1], $0x19000, s30, s29, $0x38;
	[tilespmem:$0x19000] =	vst v63  }
0x1b1: {  	s0 =	rddreg [dreg:$0x18]  }
0x1b2: {  	[hbm4b:s5+s29] =	stream.strided.scatter [tilespmem:s3], [sflag:$0x1], $0x19000, s30, s29, $0x38;
	[tilespmem:$0x19000] =	vst v63  }
0x1b3: {  	s5 =	rddreg [dreg:$0x19]  }
0x1b4: {  	[hbm4b:s0+s29] =	stream.strided.scatter [tilespmem:s3], [sflag:$0x1], $0x19000, s30, s29, $0x38;
	[tilespmem:$0x19000] =	vst v63  }
0x1b5: {  	s0 =	rddreg [dreg:$0x1a]  }
0x1b6: {  	[hbm4b:s5+s29] =	stream.strided.scatter [tilespmem:s3], [sflag:$0x1], $0x19000, s30, s29, $0x38;
	[tilespmem:$0x19000] =	vst v63  }
0x1b7: {  	s5 =	rddreg [dreg:$0x1b]  }
0x1b8: {  	[hbm4b:s0+s29] =	stream.strided.scatter [tilespmem:s3], [sflag:$0x1], $0x19000, s30, s29, $0x38;
	[tilespmem:$0x19000] =	vst v63  }
0x1b9: {  	s0 =	rddreg [dreg:$0x1c]  }
0x1ba: {  	[hbm4b:s5+s29] =	stream.strided.scatter [tilespmem:s3], [sflag:$0x1], $0x19000, s30, s29, $0x38;
	[tilespmem:$0x19000] =	vst v63  }
0x1bb: {  	s5 =	rddreg [dreg:$0x1d]  }
0x1bc: {  	[hbm4b:s0+s29] =	stream.strided.scatter [tilespmem:s3], [sflag:$0x1], $0x19000, s30, s29, $0x38;
	[tilespmem:$0x19000] =	vst v63  }
0x1bd: {  	s0 =	rddreg [dreg:$0x1e]  }
0x1be: {  	[hbm4b:s5+s29] =	stream.strided.scatter [tilespmem:s3], [sflag:$0x1], $0x19000, s30, s29, $0x38;
	[tilespmem:$0x19000] =	vst v63  }
0x1bf: {  	s5 =	rddreg [dreg:$0x1f]  }
0x1c0: {  	[hbm4b:s0+s29] =	stream.strided.scatter [tilespmem:s3], [sflag:$0x1], $0x19000, s30, s29, $0x38;
	[tilespmem:$0x19000] =	vst v63  }
0x1c1: {  	s0 =	sld [smem:$0x7F2]  }
0x1c2: {  	[hbm4b:s5+s29] =	stream.strided.scatter [tilespmem:s3], [sflag:$0x1], $0x19000, s30, s29, $0x38;
	[tilespmem:$0x19000] =	vst v63  }
0x1c3: {  	s5 =	sld [smem:$0x7F3]  }
0x1c4: {  	[hbm4b:s0+s29] =	stream.strided.scatter [tilespmem:s3], [sflag:$0x1], $0x19000, s30, s29, $0x38;
	[tilespmem:$0x19000] =	vst v63  }
0x1c5: {  	s0 =	sld [smem:$0x7F4]  }
0x1c6: {  	[hbm4b:s5+s29] =	stream.strided.scatter [tilespmem:s3], [sflag:$0x1], $0x19000, s30, s29, $0x38;
	[tilespmem:$0x19000] =	vst v63  }
0x1c7: {  	s5 =	sld [smem:$0x7F5]  }
0x1c8: {  	[hbm4b:s0+s29] =	stream.strided.scatter [tilespmem:s3], [sflag:$0x1], $0x19000, s30, s29, $0x38;
	[tilespmem:$0x19000] =	vst v63  }
0x1c9: {  	s0 =	sld [smem:$0x7F6]  }
0x1ca: {  	[hbm4b:s5+s29] =	stream.strided.scatter [tilespmem:s3], [sflag:$0x1], $0x19000, s30, s29, $0x38;
	[tilespmem:$0x19000] =	vst v63  }
0x1cb: {  	s5 =	sld [smem:$0x7F7]  }
0x1cc: {  	[hbm4b:s0+s29] =	stream.strided.scatter [tilespmem:s3], [sflag:$0x1], $0x19000, s30, s29, $0x38;
	[tilespmem:$0x19000] =	vst v63  }
0x1cd: {  	s0 =	sld [smem:$0x7F8]  }
0x1ce: {  	[hbm4b:s5+s29] =	stream.strided.scatter [tilespmem:s3], [sflag:$0x1], $0x19000, s30, s29, $0x38;
	[tilespmem:$0x19000] =	vst v63  }
0x1cf: {  	s5 =	sld [smem:$0x7F9]  }
0x1d0: {  	[hbm4b:s0+s29] =	stream.strided.scatter [tilespmem:s3], [sflag:$0x1], $0x19000, s30, s29, $0x38;
	[tilespmem:$0x19000] =	vst v63  }
0x1d1: {  	s0 =	sld [smem:$0x7FA]  }
0x1d2: {  	[hbm4b:s5+s29] =	stream.strided.scatter [tilespmem:s3], [sflag:$0x1], $0x19000, s30, s29, $0x38;
	[tilespmem:$0x19000] =	vst v63  }
0x1d3: {  	s5 =	sld [smem:$0x7FB]  }
0x1d4: {  	[hbm4b:s0+s29] =	stream.strided.scatter [tilespmem:s3], [sflag:$0x1], $0x19000, s30, s29, $0x38;
	[tilespmem:$0x19000] =	vst v63  }
0x1d5: {  	s0 =	sld [smem:$0x7FC]  }
0x1d6: {  	[hbm4b:s5+s29] =	stream.strided.scatter [tilespmem:s3], [sflag:$0x1], $0x19000, s30, s29, $0x38;
	[tilespmem:$0x19000] =	vst v63  }
0x1d7: {  	s5 =	sld [smem:$0x7FD]  }
0x1d8: {  	[hbm4b:s0+s29] =	stream.strided.scatter [tilespmem:s3], [sflag:$0x1], $0x19000, s30, s29, $0x38;
	[tilespmem:$0x19000] =	vst v63  }
0x1d9: {  	_ = 	snop  }
0x1da: {  	[hbm4b:s5+s29] =	stream.strided.scatter [tilespmem:s3], [sflag:$0x1], $0x19000, s30, s29, $0x38;
	[tilespmem:$0x19000] =	vst v63  }
0x1db: {  	s5 =	smov.u32 s6  }
0x1dc: {  	[hbm4b:s5+s29] =	stream.strided.scatter [tilespmem:s3], [sflag:$0x1], $0x19000, s30, s29, $0x38;
	[tilespmem:$0x19000] =	vst v63  }
0x1dd: {  	s6 =	smov.u32 s7  }
0x1de: {  	[hbm4b:s6+s29] =	stream.strided.scatter [tilespmem:s3], [sflag:$0x1], $0x19000, s30, s29, $0x38;
	[tilespmem:$0x19000] =	vst v63  }
0x1df: {  	s7 =	smov.u32 s8  }
0x1e0: {  	[hbm4b:s7+s29] =	stream.strided.scatter [tilespmem:s3], [sflag:$0x1], $0x19000, s30, s29, $0x38;
	[tilespmem:$0x19000] =	vst v63  }
0x1e1: {  	s8 =	smov.u32 s9  }
0x1e2: {  	[hbm4b:s8+s29] =	stream.strided.scatter [tilespmem:s3], [sflag:$0x1], $0x19000, s30, s29, $0x38;
	[tilespmem:$0x19000] =	vst v63  }
0x1e3: {  	s9 =	smov.u32 s10  }
0x1e4: {  	[hbm4b:s9+s29] =	stream.strided.scatter [tilespmem:s3], [sflag:$0x1], $0x19000, s30, s29, $0x38;
	[tilespmem:$0x19000] =	vst v63  }
0x1e5: {  	s10 =	smov.u32 s11  }
0x1e6: {  	[hbm4b:s10+s29] =	stream.strided.scatter [tilespmem:s3], [sflag:$0x1], $0x19000, s30, s29, $0x38;
	[tilespmem:$0x19000] =	vst v63  }
0x1e7: {  	s11 =	smov.u32 s12  }
0x1e8: {  	[hbm4b:s11+s29] =	stream.strided.scatter [tilespmem:s3], [sflag:$0x1], $0x19000, s30, s29, $0x38;
	[tilespmem:$0x19000] =	vst v63  }
0x1e9: {  	s12 =	smov.u32 s13  }
0x1ea: {  	[hbm4b:s12+s29] =	stream.strided.scatter [tilespmem:s3], [sflag:$0x1], $0x19000, s30, s29, $0x38;
	[tilespmem:$0x19000] =	vst v63  }
0x1eb: {  	s13 =	smov.u32 s14  }
0x1ec: {  	[hbm4b:s13+s29] =	stream.strided.scatter [tilespmem:s3], [sflag:$0x1], $0x19000, s30, s29, $0x38;
	[tilespmem:$0x19000] =	vst v63  }
0x1ed: {  	s14 =	smov.u32 s15  }
0x1ee: {  	[hbm4b:s14+s29] =	stream.strided.scatter [tilespmem:s3], [sflag:$0x1], $0x19000, s30, s29, $0x38;
	[tilespmem:$0x19000] =	vst v63  }
0x1ef: {  	s15 =	smov.u32 s16  }
0x1f0: {  	[hbm4b:s15+s29] =	stream.strided.scatter [tilespmem:s3], [sflag:$0x1], $0x19000, s30, s29, $0x38;
	[tilespmem:$0x19000] =	vst v63  }
0x1f1: {  	s16 =	smov.u32 s17  }
0x1f2: {  	[hbm4b:s16+s29] =	stream.strided.scatter [tilespmem:s3], [sflag:$0x1], $0x19000, s30, s29, $0x38;
	[tilespmem:$0x19000] =	vst v63  }
0x1f3: {  	s17 =	smov.u32 s18  }
0x1f4: {  	[hbm4b:s17+s29] =	stream.strided.scatter [tilespmem:s3], [sflag:$0x1], $0x19000, s30, s29, $0x38;
	[tilespmem:$0x19000] =	vst v63  }
0x1f5: {  	s18 =	smov.u32 s19  }
0x1f6: {  	[hbm4b:s18+s29] =	stream.strided.scatter [tilespmem:s3], [sflag:$0x1], $0x19000, s30, s29, $0x38;
	[tilespmem:$0x19000] =	vst v63  }
0x1f7: {  	s19 =	smov.u32 s20  }
0x1f8: {  	[hbm4b:s19+s29] =	stream.strided.scatter [tilespmem:s3], [sflag:$0x1], $0x19000, s30, s29, $0x38;
	[tilespmem:$0x19000] =	vst v63  }
0x1f9: {  	s20 =	smov.u32 s21  }
0x1fa: {  	[hbm4b:s20+s29] =	stream.strided.scatter [tilespmem:s3], [sflag:$0x1], $0x19000, s30, s29, $0x38;
	[tilespmem:$0x19000] =	vst v63  }
0x1fb: {  	s21 =	smov.u32 s22  }
0x1fc: {  	[hbm4b:s21+s29] =	stream.strided.scatter [tilespmem:s3], [sflag:$0x1], $0x19000, s30, s29, $0x38;
	[tilespmem:$0x19000] =	vst v63  }
0x1fd: {  	s22 =	smov.u32 s23  }
0x1fe: {  	[hbm4b:s22+s29] =	stream.strided.scatter [tilespmem:s3], [sflag:$0x1], $0x19000, s30, s29, $0x38;
	[tilespmem:$0x19000] =	vst v63  }
0x1ff: {  	s23 =	smov.u32 s24  }
0x200: {  	[hbm4b:s23+s29] =	stream.strided.scatter [tilespmem:s3], [sflag:$0x1], $0x19000, s30, s29, $0x38;
	[tilespmem:$0x19000] =	vst v63  }
0x201: {  	s24 =	smov.u32 s25  }
0x202: {  	[hbm4b:s24+s29] =	stream.strided.scatter [tilespmem:s3], [sflag:$0x1], $0x19000, s30, s29, $0x38;
	[tilespmem:$0x19000] =	vst v63  }
0x203: {  	s25 =	smov.u32 s26  }
0x204: {  	[hbm4b:s25+s29] =	stream.strided.scatter [tilespmem:s3], [sflag:$0x1], $0x19000, s30, s29, $0x38;
	[tilespmem:$0x19000] =	vst v63  }
0x205: {  	s26 =	smov.u32 s28  }
0x206: {  	[hbm4b:s26+s29] =	stream.strided.scatter [tilespmem:s3], [sflag:$0x1], $0x19000, s30, s29, $0x38;
	[tilespmem:$0x19000] =	vst v63  }
0x207: {  	s28 =	smov.u32 s4  }
0x208: {  	[hbm4b:s28+s29] =	stream.strided.scatter [tilespmem:s3], [sflag:$0x1], $0x19000, s30, s29, $0x38;
	[tilespmem:$0x19000] =	vst v63  }
0x209: {  	_ =	swait.ge [sflag:s2], $0x19000  }
0x20a: {  	[sflag:s2] =	ssyncset.done $0x0  }
0x20b: {  	[sflag:s2] =	ssyncadd.s32 $0xFFFE7000  }
0x20c: {  	_ =	swait.ge [sflag:s2], $0x19000  }
0x20d: {  	[sflag:s2] =	ssyncset.done $0x0  }
0x20e: {  	[sflag:s2] =	ssyncadd.s32 $0xFFFE7000  }
0x20f: {  	_ =	swait.ge [sflag:s2], $0x19000  }
0x210: {  	[sflag:s2] =	ssyncset.done $0x0  }
0x211: {  	[sflag:s2] =	ssyncadd.s32 $0xFFFE7000  }
0x212: {  	_ =	swait.ge [sflag:s2], $0x19000  }
0x213: {  	[sflag:s2] =	ssyncset.done $0x0  }
0x214: {  	[sflag:s2] =	ssyncadd.s32 $0xFFFE7000  }
0x215: {  	_ =	swait.ge [sflag:s2], $0x19000  }
0x216: {  	[sflag:s2] =	ssyncset.done $0x0  }
0x217: {  	[sflag:s2] =	ssyncadd.s32 $0xFFFE7000  }
0x218: {  	_ =	swait.ge [sflag:s2], $0x19000  }
0x219: {  	[sflag:s2] =	ssyncset.done $0x0  }
0x21a: {  	[sflag:s2] =	ssyncadd.s32 $0xFFFE7000  }
0x21b: {  	_ =	swait.ge [sflag:s2], $0x19000  }
0x21c: {  	[sflag:s2] =	ssyncset.done $0x0  }
0x21d: {  	[sflag:s2] =	ssyncadd.s32 $0xFFFE7000  }
0x21e: {  	_ =	swait.ge [sflag:s2], $0x19000  }
0x21f: {  	[sflag:s2] =	ssyncset.done $0x0  }
0x220: {  	[sflag:s2] =	ssyncadd.s32 $0xFFFE7000  }
0x221: {  	_ =	swait.ge [sflag:s2], $0x19000  }
0x222: {  	[sflag:s2] =	ssyncset.done $0x0  }
0x223: {  	[sflag:s2] =	ssyncadd.s32 $0xFFFE7000  }
0x224: {  	_ =	swait.ge [sflag:s2], $0x19000  }
0x225: {  	[sflag:s2] =	ssyncset.done $0x0  }
0x226: {  	[sflag:s2] =	ssyncadd.s32 $0xFFFE7000  }
0x227: {  	_ =	swait.ge [sflag:s2], $0x19000  }
0x228: {  	[sflag:s2] =	ssyncset.done $0x0  }
0x229: {  	[sflag:s2] =	ssyncadd.s32 $0xFFFE7000  }
0x22a: {  	_ =	swait.ge [sflag:s2], $0x19000  }
0x22b: {  	[sflag:s2] =	ssyncset.done $0x0  }
0x22c: {  	[sflag:s2] =	ssyncadd.s32 $0xFFFE7000  }
0x22d: {  	_ =	swait.ge [sflag:s2], $0x19000  }
0x22e: {  	[sflag:s2] =	ssyncset.done $0x0  }
0x22f: {  	[sflag:s2] =	ssyncadd.s32 $0xFFFE7000  }
0x230: {  	_ =	swait.ge [sflag:s2], $0x19000  }
0x231: {  	[sflag:s2] =	ssyncset.done $0x0  }
0x232: {  	[sflag:s2] =	ssyncadd.s32 $0xFFFE7000  }
0x233: {  	_ =	swait.ge [sflag:s2], $0x19000  }
0x234: {  	[sflag:s2] =	ssyncset.done $0x0  }
0x235: {  	[sflag:s2] =	ssyncadd.s32 $0xFFFE7000  }
0x236: {  	_ =	swait.ge [sflag:s2], $0x19000  }
0x237: {  	[sflag:s2] =	ssyncset.done $0x0  }
0x238: {  	[sflag:s2] =	ssyncadd.s32 $0xFFFE7000  }
0x239: {  	_ =	swait.ge [sflag:s2], $0x19000  }
0x23a: {  	[sflag:s2] =	ssyncset.done $0x0  }
0x23b: {  	[sflag:s2] =	ssyncadd.s32 $0xFFFE7000  }
0x23c: {  	_ =	swait.ge [sflag:s2], $0x19000  }
0x23d: {  	[sflag:s2] =	ssyncset.done $0x0  }
0x23e: {  	[sflag:s2] =	ssyncadd.s32 $0xFFFE7000  }
0x23f: {  	_ =	swait.ge [sflag:s2], $0x19000  }
0x240: {  	[sflag:s2] =	ssyncset.done $0x0  }
0x241: {  	[sflag:s2] =	ssyncadd.s32 $0xFFFE7000  }
0x242: {  	_ =	swait.ge [sflag:s2], $0x19000  }
0x243: {  	[sflag:s2] =	ssyncset.done $0x0  }
0x244: {  	[sflag:s2] =	ssyncadd.s32 $0xFFFE7000  }
0x245: {  	_ =	swait.ge [sflag:s2], $0x19000  }
0x246: {  	[sflag:s2] =	ssyncset.done $0x0  }
0x247: {  	[sflag:s2] =	ssyncadd.s32 $0xFFFE7000  }
0x248: {  	_ =	swait.ge [sflag:s2], $0x19000  }
0x249: {  	[sflag:s2] =	ssyncset.done $0x0  }
0x24a: {  	[sflag:s2] =	ssyncadd.s32 $0xFFFE7000  }
0x24b: {  	_ =	swait.ge [sflag:s2], $0x19000  }
0x24c: {  	[sflag:s2] =	ssyncset.done $0x0  }
0x24d: {  	[sflag:s2] =	ssyncadd.s32 $0xFFFE7000  }
0x24e: {  	_ =	swait.ge [sflag:s2], $0x19000  }
0x24f: {  	[sflag:s2] =	ssyncset.done $0x0  }
0x250: {  	[sflag:s2] =	ssyncadd.s32 $0xFFFE7000  }
0x251: {  	_ =	swait.ge [sflag:s2], $0x19000  }
0x252: {  	[sflag:s2] =	ssyncset.done $0x0  }
0x253: {  	[sflag:s2] =	ssyncadd.s32 $0xFFFE7000  }
0x254: {  	_ =	swait.ge [sflag:s2], $0x19000  }
0x255: {  	[sflag:s2] =	ssyncset.done $0x0  }
0x256: {  	[sflag:s2] =	ssyncadd.s32 $0xFFFE7000  }
0x257: {  	_ =	swait.ge [sflag:s2], $0x19000  }
0x258: {  	[sflag:s2] =	ssyncset.done $0x0  }
0x259: {  	[sflag:s2] =	ssyncadd.s32 $0xFFFE7000  }
0x25a: {  	_ =	swait.ge [sflag:s2], $0x19000  }
0x25b: {  	[sflag:s2] =	ssyncset.done $0x0  }
0x25c: {  	[sflag:s2] =	ssyncadd.s32 $0xFFFE7000  }
0x25d: {  	_ =	swait.ge [sflag:s2], $0x19000  }
0x25e: {  	[sflag:s2] =	ssyncset.done $0x0  }
0x25f: {  	[sflag:s2] =	ssyncadd.s32 $0xFFFE7000  }
0x260: {  	_ =	swait.ge [sflag:s2], $0x19000  }
0x261: {  	[sflag:s2] =	ssyncset.done $0x0  }
0x262: {  	[sflag:s2] =	ssyncadd.s32 $0xFFFE7000  }
0x263: {  	_ =	swait.ge [sflag:s2], $0x19000  }
0x264: {  	[sflag:s2] =	ssyncset.done $0x0  }
0x265: {  	[sflag:s2] =	ssyncadd.s32 $0xFFFE7000  }
0x266: {  	_ =	swait.ge [sflag:s2], $0x19000  }
0x267: {  	[sflag:s2] =	ssyncset.done $0x0  }
0x268: {  	[sflag:s2] =	ssyncadd.s32 $0xFFFE7000  }
0x269: {  	_ =	swait.ge [sflag:s2], $0x19000  }
0x26a: {  	[sflag:s2] =	ssyncset.done $0x0  }
0x26b: {  	[sflag:s2] =	ssyncadd.s32 $0xFFFE7000  }
0x26c: {  	_ =	swait.ge [sflag:s2], $0x19000  }
0x26d: {  	[sflag:s2] =	ssyncset.done $0x0  }
0x26e: {  	[sflag:s2] =	ssyncadd.s32 $0xFFFE7000  }
0x26f: {  	_ =	swait.ge [sflag:s2], $0x19000  }
0x270: {  	[sflag:s2] =	ssyncset.done $0x0  }
0x271: {  	[sflag:s2] =	ssyncadd.s32 $0xFFFE7000  }
0x272: {  	_ =	swait.ge [sflag:s2], $0x19000  }
0x273: {  	[sflag:s2] =	ssyncset.done $0x0  }
0x274: {  	[sflag:s2] =	ssyncadd.s32 $0xFFFE7000  }
0x275: {  	_ =	swait.ge [sflag:s2], $0x19000  }
0x276: {  	[sflag:s2] =	ssyncset.done $0x0  }
0x277: {  	[sflag:s2] =	ssyncadd.s32 $0xFFFE7000  }
0x278: {  	_ =	swait.ge [sflag:s2], $0x19000  }
0x279: {  	[sflag:s2] =	ssyncset.done $0x0  }
0x27a: {  	[sflag:s2] =	ssyncadd.s32 $0xFFFE7000  }
0x27b: {  	_ =	swait.ge [sflag:s2], $0x19000  }
0x27c: {  	[sflag:s2] =	ssyncset.done $0x0  }
0x27d: {  	[sflag:s2] =	ssyncadd.s32 $0xFFFE7000  }
0x27e: {  	_ =	swait.ge [sflag:s2], $0x19000  }
0x27f: {  	[sflag:s2] =	ssyncset.done $0x0  }
0x280: {  	[sflag:s2] =	ssyncadd.s32 $0xFFFE7000  }
0x281: {  	_ =	swait.ge [sflag:s2], $0x19000  }
0x282: {  	[sflag:s2] =	ssyncset.done $0x0  }
0x283: {  	[sflag:s2] =	ssyncadd.s32 $0xFFFE7000  }
0x284: {  	_ =	swait.ge [sflag:s2], $0x19000  }
0x285: {  	[sflag:s2] =	ssyncset.done $0x0  }
0x286: {  	[sflag:s2] =	ssyncadd.s32 $0xFFFE7000  }
0x287: {  	_ =	swait.ge [sflag:s2], $0x19000  }
0x288: {  	[sflag:s2] =	ssyncset.done $0x0  }
0x289: {  	[sflag:s2] =	ssyncadd.s32 $0xFFFE7000  }
0x28a: {  	_ =	swait.ge [sflag:s2], $0x19000  }
0x28b: {  	[sflag:s2] =	ssyncset.done $0x0  }
0x28c: {  	[sflag:s2] =	ssyncadd.s32 $0xFFFE7000  }
0x28d: {  	_ =	swait.ge [sflag:s2], $0x19000  }
0x28e: {  	[sflag:s2] =	ssyncset.done $0x0  }
0x28f: {  	[sflag:s2] =	ssyncadd.s32 $0xFFFE7000  }
0x290: {  	_ =	swait.ge [sflag:s2], $0x19000  }
0x291: {  	[sflag:s2] =	ssyncset.done $0x0  }
0x292: {  	[sflag:s2] =	ssyncadd.s32 $0xFFFE7000  }
0x293: {  	_ =	swait.ge [sflag:s2], $0x19000  }
0x294: {  	[sflag:s2] =	ssyncset.done $0x0  }
0x295: {  	[sflag:s2] =	ssyncadd.s32 $0xFFFE7000  }
0x296: {  	_ =	swait.ge [sflag:s2], $0x19000  }
0x297: {  	[sflag:s2] =	ssyncset.done $0x0  }
0x298: {  	[sflag:s2] =	ssyncadd.s32 $0xFFFE7000  }
0x299: {  	_ =	swait.ge [sflag:s2], $0x19000  }
0x29a: {  	[sflag:s2] =	ssyncset.done $0x0  }
0x29b: {  	[sflag:s2] =	ssyncadd.s32 $0xFFFE7000  }
0x29c: {  	_ =	swait.ge [sflag:s2], $0x19000  }
0x29d: {  	[sflag:s2] =	ssyncset.done $0x0  }
0x29e: {  	[sflag:s2] =	ssyncadd.s32 $0xFFFE7000  }
0x29f: {  	_ =	swait.ge [sflag:s2], $0x19000  }
0x2a0: {  	[sflag:s2] =	ssyncset.done $0x0  }
0x2a1: {  	[sflag:s2] =	ssyncadd.s32 $0xFFFE7000  }
0x2a2: {  	_ =	swait.ge [sflag:s2], $0x19000  }
0x2a3: {  	[sflag:s2] =	ssyncset.done $0x0  }
0x2a4: {  	[sflag:s2] =	ssyncadd.s32 $0xFFFE7000  }
0x2a5: {  	_ =	swait.ge [sflag:s2], $0x19000  }
0x2a6: {  	[sflag:s2] =	ssyncset.done $0x0  }
0x2a7: {  	[sflag:s2] =	ssyncadd.s32 $0xFFFE7000  }
0x2a8: {  	_ =	swait.ge [sflag:s2], $0x19000  }
0x2a9: {  	[sflag:s2] =	ssyncset.done $0x0  }
0x2aa: {  	[sflag:s2] =	ssyncadd.s32 $0xFFFE7000  }
0x2ab: {  	_ =	swait.ge [sflag:s2], $0x19000  }
0x2ac: {  	[sflag:s2] =	ssyncset.done $0x0  }
0x2ad: {  	[sflag:s2] =	ssyncadd.s32 $0xFFFE7000  }
0x2ae: {  	_ =	swait.ge [sflag:s2], $0x19000  }
0x2af: {  	[sflag:s2] =	ssyncset.done $0x0  }
0x2b0: {  	[sflag:s2] =	ssyncadd.s32 $0xFFFE7000  }
0x2b1: {  	_ =	swait.ge [sflag:s2], $0x19000  }
0x2b2: {  	[sflag:s2] =	ssyncset.done $0x0  }
0x2b3: {  	[sflag:s2] =	ssyncadd.s32 $0xFFFE7000  }
0x2b4: {  	_ =	swait.ge [sflag:s2], $0x19000  }
0x2b5: {  	[sflag:s2] =	ssyncset.done $0x0  }
0x2b6: {  	[sflag:s2] =	ssyncadd.s32 $0xFFFE7000  }
0x2b7: {  	_ =	swait.ge [sflag:s2], $0x19000  }
0x2b8: {  	[sflag:s2] =	ssyncset.done $0x0  }
0x2b9: {  	[sflag:s2] =	ssyncadd.s32 $0xFFFE7000  }
0x2ba: {  	_ =	swait.ge [sflag:s2], $0x19000  }
0x2bb: {  	[sflag:s2] =	ssyncset.done $0x0  }
0x2bc: {  	[sflag:s2] =	ssyncadd.s32 $0xFFFE7000  }
0x2bd: {  	_ =	swait.ge [sflag:s2], $0x19000  }
0x2be: {  	[sflag:s2] =	ssyncset.done $0x0  }
0x2bf: {  	[sflag:s2] =	ssyncadd.s32 $0xFFFE7000  }
0x2c0: {  	_ =	swait.ge [sflag:s2], $0x19000  }
0x2c1: {  	[sflag:s2] =	ssyncset.done $0x0  }
0x2c2: {  	p1 =	sne.s32 s1, $0x1;
	[sflag:s2] =	ssyncadd.s32 $0xFFFE7000  }
.Ltmp2:
0x2c3: {  	_ =	swait.ge [sflag:s2], $0x19000;
	(pc) =	sbr.rel @p1 .LBB2_2-.Ltmp2, $4  }
0x2c4: {  	[sflag:s2] =	ssyncset.done $0x0  }
0x2c5: {  	[sflag:s2] =	ssyncadd.s32 $0xFFFE7000  }
0x2c6: {  	s1 =	sadd.s32 $0xFFFFFFFF, s1;
	s4 =	smov.u32 s31;
	_ =	swait.ge [sflag:s2], $0x19000  }
0x2c7: {  	s31 =	simm.s32 $0x2;
	s0 =	rddreg [dreg:$0x3];
	[sflag:s2] =	ssyncset.done $0x0  }
.LBB2_3:
0x2c8: {  	[sflag:s2] =	ssyncadd.s32 @p0 $0xFFFE7000  }
0x2c9: {  	[tilespmem:s3], [sflag:$0x2] =	stream.linear.gather [hbm4b:s0+s3], $0x19000, $0x38;
	[tilespmem:$0x19000] =	vst v63  }
0x2ca: {  	_ =	swait.ge [sflag:s31], $0x19000  }
0x2cb: {  	[sflag:s31] =	ssyncset.done $0x0  }
0x2cc: {  	s1 =	rddreg [dreg:$0x5];
	[sflag:s31] =	ssyncadd.s32 $0xFFFE7000  }
0x2cd: {  	[hbm4b:s4+s29] =	stream.strided.scatter [tilespmem:s3], [sflag:$0x1], $0x19000, s30, s29, $0x38;
	[tilespmem:$0x19000] =	vst v63  }
0x2ce: {  	s31 =	rddreg [dreg:$0x4]  }
0x2cf: {  	[hbm4b:s31+s29] =	stream.strided.scatter [tilespmem:s3], [sflag:$0x1], $0x19000, s30, s29, $0x38;
	[tilespmem:$0x19000] =	vst v63  }
0x2d0: {  	s4 =	rddreg [dreg:$0x7]  }
0x2d1: {  	[hbm4b:s1+s29] =	stream.strided.scatter [tilespmem:s3], [sflag:$0x1], $0x19000, s30, s29, $0x38;
	[tilespmem:$0x19000] =	vst v63  }
0x2d2: {  	s31 =	rddreg [dreg:$0x6]  }
0x2d3: {  	[hbm4b:s31+s29] =	stream.strided.scatter [tilespmem:s3], [sflag:$0x1], $0x19000, s30, s29, $0x38;
	[tilespmem:$0x19000] =	vst v63  }
0x2d4: {  	s31 =	rddreg [dreg:$0x8]  }
0x2d5: {  	[hbm4b:s4+s29] =	stream.strided.scatter [tilespmem:s3], [sflag:$0x1], $0x19000, s30, s29, $0x38;
	[tilespmem:$0x19000] =	vst v63  }
0x2d6: {  	s4 =	rddreg [dreg:$0x9]  }
0x2d7: {  	[hbm4b:s31+s29] =	stream.strided.scatter [tilespmem:s3], [sflag:$0x1], $0x19000, s30, s29, $0x38;
	[tilespmem:$0x19000] =	vst v63  }
0x2d8: {  	s31 =	rddreg [dreg:$0xa]  }
0x2d9: {  	[hbm4b:s4+s29] =	stream.strided.scatter [tilespmem:s3], [sflag:$0x1], $0x19000, s30, s29, $0x38;
	[tilespmem:$0x19000] =	vst v63  }
0x2da: {  	s4 =	rddreg [dreg:$0xb]  }
0x2db: {  	[hbm4b:s31+s29] =	stream.strided.scatter [tilespmem:s3], [sflag:$0x1], $0x19000, s30, s29, $0x38;
	[tilespmem:$0x19000] =	vst v63  }
0x2dc: {  	s31 =	rddreg [dreg:$0xc]  }
0x2dd: {  	[hbm4b:s4+s29] =	stream.strided.scatter [tilespmem:s3], [sflag:$0x1], $0x19000, s30, s29, $0x38;
	[tilespmem:$0x19000] =	vst v63  }
0x2de: {  	s4 =	rddreg [dreg:$0xd]  }
0x2df: {  	[hbm4b:s31+s29] =	stream.strided.scatter [tilespmem:s3], [sflag:$0x1], $0x19000, s30, s29, $0x38;
	[tilespmem:$0x19000] =	vst v63  }
0x2e0: {  	s31 =	rddreg [dreg:$0xe]  }
0x2e1: {  	[hbm4b:s4+s29] =	stream.strided.scatter [tilespmem:s3], [sflag:$0x1], $0x19000, s30, s29, $0x38;
	[tilespmem:$0x19000] =	vst v63  }
0x2e2: {  	s4 =	rddreg [dreg:$0xf]  }
0x2e3: {  	[hbm4b:s31+s29] =	stream.strided.scatter [tilespmem:s3], [sflag:$0x1], $0x19000, s30, s29, $0x38;
	[tilespmem:$0x19000] =	vst v63  }
0x2e4: {  	s31 =	rddreg [dreg:$0x10]  }
0x2e5: {  	[hbm4b:s4+s29] =	stream.strided.scatter [tilespmem:s3], [sflag:$0x1], $0x19000, s30, s29, $0x38;
	[tilespmem:$0x19000] =	vst v63  }
0x2e6: {  	s4 =	rddreg [dreg:$0x11]  }
0x2e7: {  	[hbm4b:s31+s29] =	stream.strided.scatter [tilespmem:s3], [sflag:$0x1], $0x19000, s30, s29, $0x38;
	[tilespmem:$0x19000] =	vst v63  }
0x2e8: {  	s31 =	rddreg [dreg:$0x12]  }
0x2e9: {  	[hbm4b:s4+s29] =	stream.strided.scatter [tilespmem:s3], [sflag:$0x1], $0x19000, s30, s29, $0x38;
	[tilespmem:$0x19000] =	vst v63  }
0x2ea: {  	s4 =	rddreg [dreg:$0x13]  }
0x2eb: {  	[hbm4b:s31+s29] =	stream.strided.scatter [tilespmem:s3], [sflag:$0x1], $0x19000, s30, s29, $0x38;
	[tilespmem:$0x19000] =	vst v63  }
0x2ec: {  	s31 =	rddreg [dreg:$0x14]  }
0x2ed: {  	[hbm4b:s4+s29] =	stream.strided.scatter [tilespmem:s3], [sflag:$0x1], $0x19000, s30, s29, $0x38;
	[tilespmem:$0x19000] =	vst v63  }
0x2ee: {  	s4 =	rddreg [dreg:$0x15]  }
0x2ef: {  	[hbm4b:s31+s29] =	stream.strided.scatter [tilespmem:s3], [sflag:$0x1], $0x19000, s30, s29, $0x38;
	[tilespmem:$0x19000] =	vst v63  }
0x2f0: {  	s31 =	rddreg [dreg:$0x16]  }
0x2f1: {  	[hbm4b:s4+s29] =	stream.strided.scatter [tilespmem:s3], [sflag:$0x1], $0x19000, s30, s29, $0x38;
	[tilespmem:$0x19000] =	vst v63  }
0x2f2: {  	s4 =	rddreg [dreg:$0x17]  }
0x2f3: {  	[hbm4b:s31+s29] =	stream.strided.scatter [tilespmem:s3], [sflag:$0x1], $0x19000, s30, s29, $0x38;
	[tilespmem:$0x19000] =	vst v63  }
0x2f4: {  	s31 =	rddreg [dreg:$0x18]  }
0x2f5: {  	[hbm4b:s4+s29] =	stream.strided.scatter [tilespmem:s3], [sflag:$0x1], $0x19000, s30, s29, $0x38;
	[tilespmem:$0x19000] =	vst v63  }
0x2f6: {  	s4 =	rddreg [dreg:$0x19]  }
0x2f7: {  	[hbm4b:s31+s29] =	stream.strided.scatter [tilespmem:s3], [sflag:$0x1], $0x19000, s30, s29, $0x38;
	[tilespmem:$0x19000] =	vst v63  }
0x2f8: {  	s31 =	rddreg [dreg:$0x1a]  }
0x2f9: {  	[hbm4b:s4+s29] =	stream.strided.scatter [tilespmem:s3], [sflag:$0x1], $0x19000, s30, s29, $0x38;
	[tilespmem:$0x19000] =	vst v63  }
0x2fa: {  	s4 =	rddreg [dreg:$0x1b]  }
0x2fb: {  	[hbm4b:s31+s29] =	stream.strided.scatter [tilespmem:s3], [sflag:$0x1], $0x19000, s30, s29, $0x38;
	[tilespmem:$0x19000] =	vst v63  }
0x2fc: {  	s31 =	rddreg [dreg:$0x1c]  }
0x2fd: {  	[hbm4b:s4+s29] =	stream.strided.scatter [tilespmem:s3], [sflag:$0x1], $0x19000, s30, s29, $0x38;
	[tilespmem:$0x19000] =	vst v63  }
0x2fe: {  	s4 =	rddreg [dreg:$0x1d]  }
0x2ff: {  	[hbm4b:s31+s29] =	stream.strided.scatter [tilespmem:s3], [sflag:$0x1], $0x19000, s30, s29, $0x38;
	[tilespmem:$0x19000] =	vst v63  }
0x300: {  	s31 =	rddreg [dreg:$0x1e]  }
0x301: {  	[hbm4b:s4+s29] =	stream.strided.scatter [tilespmem:s3], [sflag:$0x1], $0x19000, s30, s29, $0x38;
	[tilespmem:$0x19000] =	vst v63  }
0x302: {  	s4 =	rddreg [dreg:$0x1f]  }
0x303: {  	[hbm4b:s31+s29] =	stream.strided.scatter [tilespmem:s3], [sflag:$0x1], $0x19000, s30, s29, $0x38;
	[tilespmem:$0x19000] =	vst v63  }
0x304: {  	s31 =	sld [smem:$0x7F2]  }
0x305: {  	[hbm4b:s4+s29] =	stream.strided.scatter [tilespmem:s3], [sflag:$0x1], $0x19000, s30, s29, $0x38;
	[tilespmem:$0x19000] =	vst v63  }
0x306: {  	s4 =	sld [smem:$0x7F3]  }
0x307: {  	[hbm4b:s31+s29] =	stream.strided.scatter [tilespmem:s3], [sflag:$0x1], $0x19000, s30, s29, $0x38;
	[tilespmem:$0x19000] =	vst v63  }
0x308: {  	s31 =	sld [smem:$0x7F4]  }
0x309: {  	[hbm4b:s4+s29] =	stream.strided.scatter [tilespmem:s3], [sflag:$0x1], $0x19000, s30, s29, $0x38;
	[tilespmem:$0x19000] =	vst v63  }
0x30a: {  	s4 =	sld [smem:$0x7F5]  }
0x30b: {  	[hbm4b:s31+s29] =	stream.strided.scatter [tilespmem:s3], [sflag:$0x1], $0x19000, s30, s29, $0x38;
	[tilespmem:$0x19000] =	vst v63  }
0x30c: {  	s31 =	sld [smem:$0x7F6]  }
0x30d: {  	[hbm4b:s4+s29] =	stream.strided.scatter [tilespmem:s3], [sflag:$0x1], $0x19000, s30, s29, $0x38;
	[tilespmem:$0x19000] =	vst v63  }
0x30e: {  	s4 =	sld [smem:$0x7F7]  }
0x30f: {  	[hbm4b:s31+s29] =	stream.strided.scatter [tilespmem:s3], [sflag:$0x1], $0x19000, s30, s29, $0x38;
	[tilespmem:$0x19000] =	vst v63  }
0x310: {  	s31 =	sld [smem:$0x7F8]  }
0x311: {  	[hbm4b:s4+s29] =	stream.strided.scatter [tilespmem:s3], [sflag:$0x1], $0x19000, s30, s29, $0x38;
	[tilespmem:$0x19000] =	vst v63  }
0x312: {  	s4 =	sld [smem:$0x7F9]  }
0x313: {  	[hbm4b:s31+s29] =	stream.strided.scatter [tilespmem:s3], [sflag:$0x1], $0x19000, s30, s29, $0x38;
	[tilespmem:$0x19000] =	vst v63  }
0x314: {  	s31 =	sld [smem:$0x7FA]  }
0x315: {  	[hbm4b:s4+s29] =	stream.strided.scatter [tilespmem:s3], [sflag:$0x1], $0x19000, s30, s29, $0x38;
	[tilespmem:$0x19000] =	vst v63  }
0x316: {  	s4 =	sld [smem:$0x7FB]  }
0x317: {  	[hbm4b:s31+s29] =	stream.strided.scatter [tilespmem:s3], [sflag:$0x1], $0x19000, s30, s29, $0x38;
	[tilespmem:$0x19000] =	vst v63  }
0x318: {  	s31 =	sld [smem:$0x7FC]  }
0x319: {  	[hbm4b:s4+s29] =	stream.strided.scatter [tilespmem:s3], [sflag:$0x1], $0x19000, s30, s29, $0x38;
	[tilespmem:$0x19000] =	vst v63  }
0x31a: {  	s4 =	sld [smem:$0x7FD]  }
0x31b: {  	[hbm4b:s31+s29] =	stream.strided.scatter [tilespmem:s3], [sflag:$0x1], $0x19000, s30, s29, $0x38;
	[tilespmem:$0x19000] =	vst v63  }
0x31c: {  	_ = 	snop  }
0x31d: {  	[hbm4b:s4+s29] =	stream.strided.scatter [tilespmem:s3], [sflag:$0x1], $0x19000, s30, s29, $0x38;
	[tilespmem:$0x19000] =	vst v63  }
0x31e: {  	_ = 	snop  }
0x31f: {  	[hbm4b:s5+s29] =	stream.strided.scatter [tilespmem:s3], [sflag:$0x1], $0x19000, s30, s29, $0x38;
	[tilespmem:$0x19000] =	vst v63  }
0x320: {  	_ = 	snop  }
0x321: {  	[hbm4b:s6+s29] =	stream.strided.scatter [tilespmem:s3], [sflag:$0x1], $0x19000, s30, s29, $0x38;
	[tilespmem:$0x19000] =	vst v63  }
0x322: {  	_ = 	snop  }
0x323: {  	[hbm4b:s7+s29] =	stream.strided.scatter [tilespmem:s3], [sflag:$0x1], $0x19000, s30, s29, $0x38;
	[tilespmem:$0x19000] =	vst v63  }
0x324: {  	_ = 	snop  }
0x325: {  	[hbm4b:s8+s29] =	stream.strided.scatter [tilespmem:s3], [sflag:$0x1], $0x19000, s30, s29, $0x38;
	[tilespmem:$0x19000] =	vst v63  }
0x326: {  	_ = 	snop  }
0x327: {  	[hbm4b:s9+s29] =	stream.strided.scatter [tilespmem:s3], [sflag:$0x1], $0x19000, s30, s29, $0x38;
	[tilespmem:$0x19000] =	vst v63  }
0x328: {  	_ = 	snop  }
0x329: {  	[hbm4b:s10+s29] =	stream.strided.scatter [tilespmem:s3], [sflag:$0x1], $0x19000, s30, s29, $0x38;
	[tilespmem:$0x19000] =	vst v63  }
0x32a: {  	_ = 	snop  }
0x32b: {  	[hbm4b:s11+s29] =	stream.strided.scatter [tilespmem:s3], [sflag:$0x1], $0x19000, s30, s29, $0x38;
	[tilespmem:$0x19000] =	vst v63  }
0x32c: {  	_ = 	snop  }
0x32d: {  	[hbm4b:s12+s29] =	stream.strided.scatter [tilespmem:s3], [sflag:$0x1], $0x19000, s30, s29, $0x38;
	[tilespmem:$0x19000] =	vst v63  }
0x32e: {  	_ = 	snop  }
0x32f: {  	[hbm4b:s13+s29] =	stream.strided.scatter [tilespmem:s3], [sflag:$0x1], $0x19000, s30, s29, $0x38;
	[tilespmem:$0x19000] =	vst v63  }
0x330: {  	_ = 	snop  }
0x331: {  	[hbm4b:s14+s29] =	stream.strided.scatter [tilespmem:s3], [sflag:$0x1], $0x19000, s30, s29, $0x38;
	[tilespmem:$0x19000] =	vst v63  }
0x332: {  	_ = 	snop  }
0x333: {  	[hbm4b:s15+s29] =	stream.strided.scatter [tilespmem:s3], [sflag:$0x1], $0x19000, s30, s29, $0x38;
	[tilespmem:$0x19000] =	vst v63  }
0x334: {  	_ = 	snop  }
0x335: {  	[hbm4b:s16+s29] =	stream.strided.scatter [tilespmem:s3], [sflag:$0x1], $0x19000, s30, s29, $0x38;
	[tilespmem:$0x19000] =	vst v63  }
0x336: {  	_ = 	snop  }
0x337: {  	[hbm4b:s17+s29] =	stream.strided.scatter [tilespmem:s3], [sflag:$0x1], $0x19000, s30, s29, $0x38;
	[tilespmem:$0x19000] =	vst v63  }
0x338: {  	_ = 	snop  }
0x339: {  	[hbm4b:s18+s29] =	stream.strided.scatter [tilespmem:s3], [sflag:$0x1], $0x19000, s30, s29, $0x38;
	[tilespmem:$0x19000] =	vst v63  }
0x33a: {  	_ = 	snop  }
0x33b: {  	[hbm4b:s19+s29] =	stream.strided.scatter [tilespmem:s3], [sflag:$0x1], $0x19000, s30, s29, $0x38;
	[tilespmem:$0x19000] =	vst v63  }
0x33c: {  	_ = 	snop  }
0x33d: {  	[hbm4b:s20+s29] =	stream.strided.scatter [tilespmem:s3], [sflag:$0x1], $0x19000, s30, s29, $0x38;
	[tilespmem:$0x19000] =	vst v63  }
0x33e: {  	_ = 	snop  }
0x33f: {  	[hbm4b:s21+s29] =	stream.strided.scatter [tilespmem:s3], [sflag:$0x1], $0x19000, s30, s29, $0x38;
	[tilespmem:$0x19000] =	vst v63  }
0x340: {  	_ = 	snop  }
0x341: {  	[hbm4b:s22+s29] =	stream.strided.scatter [tilespmem:s3], [sflag:$0x1], $0x19000, s30, s29, $0x38;
	[tilespmem:$0x19000] =	vst v63  }
0x342: {  	_ = 	snop  }
0x343: {  	[hbm4b:s23+s29] =	stream.strided.scatter [tilespmem:s3], [sflag:$0x1], $0x19000, s30, s29, $0x38;
	[tilespmem:$0x19000] =	vst v63  }
0x344: {  	_ = 	snop  }
0x345: {  	[hbm4b:s24+s29] =	stream.strided.scatter [tilespmem:s3], [sflag:$0x1], $0x19000, s30, s29, $0x38;
	[tilespmem:$0x19000] =	vst v63  }
0x346: {  	_ = 	snop  }
0x347: {  	[hbm4b:s25+s29] =	stream.strided.scatter [tilespmem:s3], [sflag:$0x1], $0x19000, s30, s29, $0x38;
	[tilespmem:$0x19000] =	vst v63  }
0x348: {  	_ = 	snop  }
0x349: {  	[hbm4b:s26+s29] =	stream.strided.scatter [tilespmem:s3], [sflag:$0x1], $0x19000, s30, s29, $0x38;
	[tilespmem:$0x19000] =	vst v63  }
0x34a: {  	_ = 	snop  }
0x34b: {  	[hbm4b:s28+s29] =	stream.strided.scatter [tilespmem:s3], [sflag:$0x1], $0x19000, s30, s29, $0x38;
	[tilespmem:$0x19000] =	vst v63  }
0x34c: {  	_ =	swait.ge [sflag:s2], $0x19000  }
0x34d: {  	[sflag:s2] =	ssyncset.done $0x0  }
0x34e: {  	[sflag:s2] =	ssyncadd.s32 $0xFFFE7000  }
0x34f: {  	_ =	swait.ge [sflag:s2], $0x19000  }
0x350: {  	[sflag:s2] =	ssyncset.done $0x0  }
0x351: {  	[sflag:s2] =	ssyncadd.s32 $0xFFFE7000  }
0x352: {  	_ =	swait.ge [sflag:s2], $0x19000  }
0x353: {  	[sflag:s2] =	ssyncset.done $0x0  }
0x354: {  	[sflag:s2] =	ssyncadd.s32 $0xFFFE7000  }
0x355: {  	_ =	swait.ge [sflag:s2], $0x19000  }
0x356: {  	[sflag:s2] =	ssyncset.done $0x0  }
0x357: {  	[sflag:s2] =	ssyncadd.s32 $0xFFFE7000  }
0x358: {  	_ =	swait.ge [sflag:s2], $0x19000  }
0x359: {  	[sflag:s2] =	ssyncset.done $0x0  }
0x35a: {  	[sflag:s2] =	ssyncadd.s32 $0xFFFE7000  }
0x35b: {  	_ =	swait.ge [sflag:s2], $0x19000  }
0x35c: {  	[sflag:s2] =	ssyncset.done $0x0  }
0x35d: {  	[sflag:s2] =	ssyncadd.s32 $0xFFFE7000  }
0x35e: {  	_ =	swait.ge [sflag:s2], $0x19000  }
0x35f: {  	[sflag:s2] =	ssyncset.done $0x0  }
0x360: {  	[sflag:s2] =	ssyncadd.s32 $0xFFFE7000  }
0x361: {  	_ =	swait.ge [sflag:s2], $0x19000  }
0x362: {  	[sflag:s2] =	ssyncset.done $0x0  }
0x363: {  	[sflag:s2] =	ssyncadd.s32 $0xFFFE7000  }
0x364: {  	_ =	swait.ge [sflag:s2], $0x19000  }
0x365: {  	[sflag:s2] =	ssyncset.done $0x0  }
0x366: {  	[sflag:s2] =	ssyncadd.s32 $0xFFFE7000  }
0x367: {  	_ =	swait.ge [sflag:s2], $0x19000  }
0x368: {  	[sflag:s2] =	ssyncset.done $0x0  }
0x369: {  	[sflag:s2] =	ssyncadd.s32 $0xFFFE7000  }
0x36a: {  	_ =	swait.ge [sflag:s2], $0x19000  }
0x36b: {  	[sflag:s2] =	ssyncset.done $0x0  }
0x36c: {  	[sflag:s2] =	ssyncadd.s32 $0xFFFE7000  }
0x36d: {  	_ =	swait.ge [sflag:s2], $0x19000  }
0x36e: {  	[sflag:s2] =	ssyncset.done $0x0  }
0x36f: {  	[sflag:s2] =	ssyncadd.s32 $0xFFFE7000  }
0x370: {  	_ =	swait.ge [sflag:s2], $0x19000  }
0x371: {  	[sflag:s2] =	ssyncset.done $0x0  }
0x372: {  	[sflag:s2] =	ssyncadd.s32 $0xFFFE7000  }
0x373: {  	_ =	swait.ge [sflag:s2], $0x19000  }
0x374: {  	[sflag:s2] =	ssyncset.done $0x0  }
0x375: {  	[sflag:s2] =	ssyncadd.s32 $0xFFFE7000  }
0x376: {  	_ =	swait.ge [sflag:s2], $0x19000  }
0x377: {  	[sflag:s2] =	ssyncset.done $0x0  }
0x378: {  	[sflag:s2] =	ssyncadd.s32 $0xFFFE7000  }
0x379: {  	_ =	swait.ge [sflag:s2], $0x19000  }
0x37a: {  	[sflag:s2] =	ssyncset.done $0x0  }
0x37b: {  	[sflag:s2] =	ssyncadd.s32 $0xFFFE7000  }
0x37c: {  	_ =	swait.ge [sflag:s2], $0x19000  }
0x37d: {  	[sflag:s2] =	ssyncset.done $0x0  }
0x37e: {  	[sflag:s2] =	ssyncadd.s32 $0xFFFE7000  }
0x37f: {  	_ =	swait.ge [sflag:s2], $0x19000  }
0x380: {  	[sflag:s2] =	ssyncset.done $0x0  }
0x381: {  	[sflag:s2] =	ssyncadd.s32 $0xFFFE7000  }
0x382: {  	_ =	swait.ge [sflag:s2], $0x19000  }
0x383: {  	[sflag:s2] =	ssyncset.done $0x0  }
0x384: {  	[sflag:s2] =	ssyncadd.s32 $0xFFFE7000  }
0x385: {  	_ =	swait.ge [sflag:s2], $0x19000  }
0x386: {  	[sflag:s2] =	ssyncset.done $0x0  }
0x387: {  	[sflag:s2] =	ssyncadd.s32 $0xFFFE7000  }
0x388: {  	_ =	swait.ge [sflag:s2], $0x19000  }
0x389: {  	[sflag:s2] =	ssyncset.done $0x0  }
0x38a: {  	[sflag:s2] =	ssyncadd.s32 $0xFFFE7000  }
0x38b: {  	_ =	swait.ge [sflag:s2], $0x19000  }
0x38c: {  	[sflag:s2] =	ssyncset.done $0x0  }
0x38d: {  	[sflag:s2] =	ssyncadd.s32 $0xFFFE7000  }
0x38e: {  	_ =	swait.ge [sflag:s2], $0x19000  }
0x38f: {  	[sflag:s2] =	ssyncset.done $0x0  }
0x390: {  	[sflag:s2] =	ssyncadd.s32 $0xFFFE7000  }
0x391: {  	_ =	swait.ge [sflag:s2], $0x19000  }
0x392: {  	[sflag:s2] =	ssyncset.done $0x0  }
0x393: {  	[sflag:s2] =	ssyncadd.s32 $0xFFFE7000  }
0x394: {  	_ =	swait.ge [sflag:s2], $0x19000  }
0x395: {  	[sflag:s2] =	ssyncset.done $0x0  }
0x396: {  	[sflag:s2] =	ssyncadd.s32 $0xFFFE7000  }
0x397: {  	_ =	swait.ge [sflag:s2], $0x19000  }
0x398: {  	[sflag:s2] =	ssyncset.done $0x0  }
0x399: {  	[sflag:s2] =	ssyncadd.s32 $0xFFFE7000  }
0x39a: {  	_ =	swait.ge [sflag:s2], $0x19000  }
0x39b: {  	[sflag:s2] =	ssyncset.done $0x0  }
0x39c: {  	[sflag:s2] =	ssyncadd.s32 $0xFFFE7000  }
0x39d: {  	_ =	swait.ge [sflag:s2], $0x19000  }
0x39e: {  	[sflag:s2] =	ssyncset.done $0x0  }
0x39f: {  	[sflag:s2] =	ssyncadd.s32 $0xFFFE7000  }
0x3a0: {  	_ =	swait.ge [sflag:s2], $0x19000  }
0x3a1: {  	[sflag:s2] =	ssyncset.done $0x0  }
0x3a2: {  	[sflag:s2] =	ssyncadd.s32 $0xFFFE7000  }
0x3a3: {  	_ =	swait.ge [sflag:s2], $0x19000  }
0x3a4: {  	[sflag:s2] =	ssyncset.done $0x0  }
0x3a5: {  	[sflag:s2] =	ssyncadd.s32 $0xFFFE7000  }
0x3a6: {  	_ =	swait.ge [sflag:s2], $0x19000  }
0x3a7: {  	[sflag:s2] =	ssyncset.done $0x0  }
0x3a8: {  	[sflag:s2] =	ssyncadd.s32 $0xFFFE7000  }
0x3a9: {  	_ =	swait.ge [sflag:s2], $0x19000  }
0x3aa: {  	[sflag:s2] =	ssyncset.done $0x0  }
0x3ab: {  	[sflag:s2] =	ssyncadd.s32 $0xFFFE7000  }
0x3ac: {  	_ =	swait.ge [sflag:s2], $0x19000  }
0x3ad: {  	[sflag:s2] =	ssyncset.done $0x0  }
0x3ae: {  	[sflag:s2] =	ssyncadd.s32 $0xFFFE7000  }
0x3af: {  	_ =	swait.ge [sflag:s2], $0x19000  }
0x3b0: {  	[sflag:s2] =	ssyncset.done $0x0  }
0x3b1: {  	[sflag:s2] =	ssyncadd.s32 $0xFFFE7000  }
0x3b2: {  	_ =	swait.ge [sflag:s2], $0x19000  }
0x3b3: {  	[sflag:s2] =	ssyncset.done $0x0  }
0x3b4: {  	[sflag:s2] =	ssyncadd.s32 $0xFFFE7000  }
0x3b5: {  	_ =	swait.ge [sflag:s2], $0x19000  }
0x3b6: {  	[sflag:s2] =	ssyncset.done $0x0  }
0x3b7: {  	[sflag:s2] =	ssyncadd.s32 $0xFFFE7000  }
0x3b8: {  	_ =	swait.ge [sflag:s2], $0x19000  }
0x3b9: {  	[sflag:s2] =	ssyncset.done $0x0  }
0x3ba: {  	[sflag:s2] =	ssyncadd.s32 $0xFFFE7000  }
0x3bb: {  	_ =	swait.ge [sflag:s2], $0x19000  }
0x3bc: {  	[sflag:s2] =	ssyncset.done $0x0  }
0x3bd: {  	[sflag:s2] =	ssyncadd.s32 $0xFFFE7000  }
0x3be: {  	_ =	swait.ge [sflag:s2], $0x19000  }
0x3bf: {  	[sflag:s2] =	ssyncset.done $0x0  }
0x3c0: {  	[sflag:s2] =	ssyncadd.s32 $0xFFFE7000  }
0x3c1: {  	_ =	swait.ge [sflag:s2], $0x19000  }
0x3c2: {  	[sflag:s2] =	ssyncset.done $0x0  }
0x3c3: {  	[sflag:s2] =	ssyncadd.s32 $0xFFFE7000  }
0x3c4: {  	_ =	swait.ge [sflag:s2], $0x19000  }
0x3c5: {  	[sflag:s2] =	ssyncset.done $0x0  }
0x3c6: {  	[sflag:s2] =	ssyncadd.s32 $0xFFFE7000  }
0x3c7: {  	_ =	swait.ge [sflag:s2], $0x19000  }
0x3c8: {  	[sflag:s2] =	ssyncset.done $0x0  }
0x3c9: {  	[sflag:s2] =	ssyncadd.s32 $0xFFFE7000  }
0x3ca: {  	_ =	swait.ge [sflag:s2], $0x19000  }
0x3cb: {  	[sflag:s2] =	ssyncset.done $0x0  }
0x3cc: {  	[sflag:s2] =	ssyncadd.s32 $0xFFFE7000  }
0x3cd: {  	_ =	swait.ge [sflag:s2], $0x19000  }
0x3ce: {  	[sflag:s2] =	ssyncset.done $0x0  }
0x3cf: {  	[sflag:s2] =	ssyncadd.s32 $0xFFFE7000  }
0x3d0: {  	_ =	swait.ge [sflag:s2], $0x19000  }
0x3d1: {  	[sflag:s2] =	ssyncset.done $0x0  }
0x3d2: {  	[sflag:s2] =	ssyncadd.s32 $0xFFFE7000  }
0x3d3: {  	_ =	swait.ge [sflag:s2], $0x19000  }
0x3d4: {  	[sflag:s2] =	ssyncset.done $0x0  }
0x3d5: {  	[sflag:s2] =	ssyncadd.s32 $0xFFFE7000  }
0x3d6: {  	_ =	swait.ge [sflag:s2], $0x19000  }
0x3d7: {  	[sflag:s2] =	ssyncset.done $0x0  }
0x3d8: {  	[sflag:s2] =	ssyncadd.s32 $0xFFFE7000  }
0x3d9: {  	_ =	swait.ge [sflag:s2], $0x19000  }
0x3da: {  	[sflag:s2] =	ssyncset.done $0x0  }
0x3db: {  	[sflag:s2] =	ssyncadd.s32 $0xFFFE7000  }
0x3dc: {  	_ =	swait.ge [sflag:s2], $0x19000  }
0x3dd: {  	[sflag:s2] =	ssyncset.done $0x0  }
0x3de: {  	[sflag:s2] =	ssyncadd.s32 $0xFFFE7000  }
0x3df: {  	_ =	swait.ge [sflag:s2], $0x19000  }
0x3e0: {  	[sflag:s2] =	ssyncset.done $0x0  }
0x3e1: {  	[sflag:s2] =	ssyncadd.s32 $0xFFFE7000  }
0x3e2: {  	_ =	swait.ge [sflag:s2], $0x19000  }
0x3e3: {  	[sflag:s2] =	ssyncset.done $0x0  }
0x3e4: {  	[sflag:s2] =	ssyncadd.s32 $0xFFFE7000  }
0x3e5: {  	_ =	swait.ge [sflag:s2], $0x19000  }
0x3e6: {  	[sflag:s2] =	ssyncset.done $0x0  }
0x3e7: {  	[sflag:s2] =	ssyncadd.s32 $0xFFFE7000  }
0x3e8: {  	_ =	swait.ge [sflag:s2], $0x19000  }
0x3e9: {  	[sflag:s2] =	ssyncset.done $0x0  }
0x3ea: {  	[sflag:s2] =	ssyncadd.s32 $0xFFFE7000  }
0x3eb: {  	_ =	swait.ge [sflag:s2], $0x19000  }
0x3ec: {  	[sflag:s2] =	ssyncset.done $0x0  }
0x3ed: {  	[sflag:s2] =	ssyncadd.s32 $0xFFFE7000  }
0x3ee: {  	_ =	swait.ge [sflag:s2], $0x19000  }
0x3ef: {  	[sflag:s2] =	ssyncset.done $0x0  }
0x3f0: {  	[sflag:s2] =	ssyncadd.s32 $0xFFFE7000  }
0x3f1: {  	_ =	swait.ge [sflag:s2], $0x19000  }
0x3f2: {  	[sflag:s2] =	ssyncset.done $0x0  }
0x3f3: {  	[sflag:s2] =	ssyncadd.s32 $0xFFFE7000  }
0x3f4: {  	_ =	swait.ge [sflag:s2], $0x19000  }
0x3f5: {  	[sflag:s2] =	ssyncset.done $0x0  }
0x3f6: {  	[sflag:s2] =	ssyncadd.s32 $0xFFFE7000  }
0x3f7: {  	_ =	swait.ge [sflag:s2], $0x19000  }
0x3f8: {  	[sflag:s2] =	ssyncset.done $0x0  }
0x3f9: {  	[sflag:s2] =	ssyncadd.s32 $0xFFFE7000  }
0x3fa: {  	_ =	swait.ge [sflag:s2], $0x19000  }
0x3fb: {  	[sflag:s2] =	ssyncset.done $0x0  }
0x3fc: {  	[sflag:s2] =	ssyncadd.s32 $0xFFFE7000  }
0x3fd: {  	_ =	swait.ge [sflag:s2], $0x19000  }
0x3fe: {  	[sflag:s2] =	ssyncset.done $0x0  }
0x3ff: {  	[sflag:s2] =	ssyncadd.s32 $0xFFFE7000  }
0x400: {  	_ =	swait.ge [sflag:s2], $0x19000  }
0x401: {  	[sflag:s2] =	ssyncset.done $0x0  }
0x402: {  	[sflag:s2] =	ssyncadd.s32 $0xFFFE7000  }
0x403: {  	_ =	swait.ge [sflag:s2], $0x19000  }
0x404: {  	[sflag:s2] =	ssyncset.done $0x0  }
0x405: {  	[sflag:s2] =	ssyncadd.s32 $0xFFFE7000  }
0x406: {  	_ =	swait.ge [sflag:s2], $0x19000  }
0x407: {  	[sflag:s2] =	ssyncset.done $0x0  }
0x408: {  	[sflag:s2] =	ssyncadd.s32 $0xFFFE7000  }
0x409: {  	_ =	swait.ge [sflag:s2], $0x19000  }
0x40a: {  	[sflag:s2] =	ssyncset.done $0x0  }
0x40b: {  	[sflag:s2] =	ssyncadd.s32 $0xFFFE7000  }
0x40c: {  	_ =	sfence.sel $0x180000  }
0x40d: {  	[bflag:$0x0] =	sbarrier.arrive $0xFFFF  }
0x40e: {  	_ =	strace $0x90000047  }
0x40f: {  	s31 =	stileid.u32;
	[bflag:$0x2] =	sbarrier.arrive $0xFFFF  }
0x410: {  	p0 =	sne.s32 s31, $0x0;
	s0 =	rddreg [dreg:$0x2]  }
0x411: {  	s0 =	sadd.s32 @!p0 $0x100000, s0  }
0x412: {  	[sflag:s0] =	ssyncadd.tile.s32 @!p0 $0x1;
	_ =	shalt  }
.Lfunc_end2:
_tile_overlayer_lowered:
.L_overlay_start_2:
0x413: {  	(tag) =	ssettag $0x2  }
0x414: {  	s0 =	rddreg [dreg:$0x0];
	s2 =	stileid.u32  }
0x415: {  	s1 =	rddreg [dreg:$0x1];
	p0 =	sne.s32 s2, $0x0  }
0x416: {  	s3 =	rddreg [dreg:$0x2];
	[bflag:$0x3] =	sbarrier.arrive $0xFFFF;
	s2 =	simm.s32 @!p0 $0x1C02  }
0x417: {  	[timem:s3], [sflag:s2] =	dma.local @!p0 [hbm:s0], s1  }
0x418: {  	s0 =	simm.s32 @!p0 $0x2  }
0x419: {  	_ =	swait.ge @!p0 [sflag:s0], s1  }
0x41a: {  	s1 =	ssub.s32 @!p0 $0x0, s1;
	[sflag:s0] =	ssyncset.done @!p0 $0x0  }
0x41b: {  	[sflag:s0] =	ssyncadd.s32 @!p0 s1  }
0x41c: {  	[bflag:$0x3] =	sbarrier.arrive $0xFFFF  }
0x41d: {  	_ =	shalt  }

</sc_bundles>
